<compile_context>
chip_gen: v7x
topology: tpu7x:2x2x1
jax: 0.10.2.dev20260603
libtpu: 0.0.44.dev20260713+nightly
codegen_flags: <defaults>
</compile_context>

<pallas_src>
import functools

import jax
import jax.numpy as jnp
from jax import lax
from jax.experimental import pallas as pl
from jax.experimental.pallas import tpu as pltpu

N = 10000
D = 128
NCL = 16
NH = 3 * NCL
NP = 10240
BR = 512
GRID = NP // BR

E = 320000
NC = 2
NS = 16
W = NC * NS
CH = 128
CPW = 79
EPAD = W * CPW * CH



def _sigmoid(x):
    return 1.0 / (1.0 + jnp.exp(-x))


def _layer_body(acc_ref, deg_ref, x_ref, wl_ref, bl_ref, wr_ref, o_ref, *, act):
    a = jnp.sum(acc_ref[...], axis=0)
    deg = jnp.sum(deg_ref[...], axis=0)[:, 0]
    mean = a / jnp.maximum(deg, 1.0)[:, None]
    out = (jnp.dot(mean, wl_ref[...], preferred_element_type=jnp.float32)
           + bl_ref[...]
           + jnp.dot(x_ref[...], wr_ref[...], preferred_element_type=jnp.float32))
    if act == "relu":
        out = jnp.maximum(out, 0.0)
    else:
        out = _sigmoid(out)
    o_ref[...] = out


def _layer1_body(acc_ref, degf_ref, x_ref, wl_ref, bl_ref, wr_ref,
                 o_ref, degc_ref):
    a = jnp.sum(acc_ref[...], axis=0)
    deg = degf_ref[0, :, 0] + degf_ref[1, :, 0]
    degc_ref[...] = jnp.broadcast_to(deg[:, None], (BR, NCL))
    mean = a / jnp.maximum(deg, 1.0)[:, None]
    out = (jnp.dot(mean, wl_ref[...], preferred_element_type=jnp.float32)
           + bl_ref[...]
           + jnp.dot(x_ref[...], wr_ref[...], preferred_element_type=jnp.float32))
    o_ref[...] = jnp.maximum(out, 0.0)


def _layer1_call(acc2, degf, x, wl, bl, wr):
    A = acc2.shape[0]
    return pl.pallas_call(
        _layer1_body,
        grid=(GRID,),
        in_specs=[
            pl.BlockSpec((A, BR, D), lambda i: (0, i, 0)),
            pl.BlockSpec((NC, BR, D), lambda i: (0, i, 0)),
            pl.BlockSpec((BR, D), lambda i: (i, 0)),
            pl.BlockSpec((D, D), lambda i: (0, 0)),
            pl.BlockSpec((1, D), lambda i: (0, 0)),
            pl.BlockSpec((D, D), lambda i: (0, 0)),
        ],
        out_specs=[
            pl.BlockSpec((BR, D), lambda i: (i, 0)),
            pl.BlockSpec((BR, NCL), lambda i: (i, 0)),
        ],
        out_shape=[
            jax.ShapeDtypeStruct((NP, D), jnp.float32),
            jax.ShapeDtypeStruct((NP, NCL), jnp.float32),
        ],
    )(acc2, degf, x, wl, bl.reshape(1, -1), wr)


def _loss_body(acch_ref, deg_ref, h_ref, wlcat_ref, wrcat_ref, blcat_ref,
               y_ref, o_ref):
    i = pl.program_id(0)
    a = jnp.sum(acch_ref[...], axis=0)
    deg = jnp.sum(deg_ref[...], axis=0)[:, 0]
    mean_h = a / jnp.maximum(deg, 1.0)[:, None]
    o = _sigmoid(jnp.dot(mean_h, wlcat_ref[...], preferred_element_type=jnp.float32)
                 + blcat_ref[...]
                 + jnp.dot(h_ref[...], wrcat_ref[...], preferred_element_type=jnp.float32))
    rows = i * BR + lax.broadcasted_iota(jnp.int32, (BR, 1), 0)
    valid = rows < N
    cls = lax.broadcasted_iota(jnp.int32, (BR, NCL), 1)
    total = jnp.float32(0.0)
    for k in range(3):
        lg = o[:, k * NCL:(k + 1) * NCL]
        m = jnp.max(lg, axis=1, keepdims=True)
        lse = jnp.log(jnp.sum(jnp.exp(lg - m), axis=1, keepdims=True)) + m
        logp = lg - lse
        sel = jnp.sum(jnp.where(cls == y_ref[:, k:k + 1], logp, 0.0),
                      axis=1, keepdims=True)
        total = total + jnp.sum(jnp.where(valid, sel, 0.0))

    @pl.when(i == 0)
    def _():
        o_ref[...] = jnp.zeros_like(o_ref)

    o_ref[...] += jnp.reshape(-total / N, (1, 1))


def _layer_call(acc2, deg2, x, wl, bl, wr, act):
    A = acc2.shape[0]
    dout = wl.shape[1]
    return pl.pallas_call(
        functools.partial(_layer_body, act=act),
        grid=(GRID,),
        in_specs=[
            pl.BlockSpec((A, BR, D), lambda i: (0, i, 0)),
            pl.BlockSpec((A, BR, NCL), lambda i: (0, i, 0)),
            pl.BlockSpec((BR, D), lambda i: (i, 0)),
            pl.BlockSpec((D, dout), lambda i: (0, 0)),
            pl.BlockSpec((1, dout), lambda i: (0, 0)),
            pl.BlockSpec((D, dout), lambda i: (0, 0)),
        ],
        out_specs=pl.BlockSpec((BR, dout), lambda i: (i, 0)),
        out_shape=jax.ShapeDtypeStruct((NP, dout), jnp.float32),
    )(acc2, deg2, x, wl, bl.reshape(1, -1), wr)


def _loss_call(acch2, deg2, h, wlcat, wrcat, blcat, y):
    A = acch2.shape[0]
    return pl.pallas_call(
        _loss_body,
        grid=(GRID,),
        in_specs=[
            pl.BlockSpec((A, BR, D), lambda i: (0, i, 0)),
            pl.BlockSpec((A, BR, NCL), lambda i: (0, i, 0)),
            pl.BlockSpec((BR, D), lambda i: (i, 0)),
            pl.BlockSpec((D, NH), lambda i: (0, 0)),
            pl.BlockSpec((D, NH), lambda i: (0, 0)),
            pl.BlockSpec((1, NH), lambda i: (0, 0)),
            pl.BlockSpec((BR, 3), lambda i: (i, 0)),
        ],
        out_specs=pl.BlockSpec((1, 1), lambda i: (0, 0)),
        out_shape=jax.ShapeDtypeStruct((1, 1), jnp.float32),
    )(acch2, deg2, h, wlcat, wrcat, blcat.reshape(1, -1), y)



from jax.experimental.pallas import tpu_sc as plsc

RT = NP // NS


def _sc_mesh():
    return plsc.VectorSubcoreMesh(core_axis_name="c", subcore_axis_name="s",
                                  num_cores=NC, num_subcores=NS)


NCH = EPAD // CH


def _sc_agg_call(x_pad, src_w, dst_w, d):
    scratch = [
        pltpu.VMEM((CPW, CH), jnp.int32),
        pltpu.VMEM((CPW, CH), jnp.int32),
        pltpu.VMEM((CH, d), jnp.float32),
        pltpu.VMEM_SHARED((NP, d), jnp.float32),
        pltpu.SemaphoreType.DMA,
    ]

    def body(x_hbm, src_hbm, dst_hbm, zrows_hbm, out_hbm,
             src_v, dst_v, rows_v, acc, sem):
        c = lax.axis_index("c")
        s = lax.axis_index("s")
        wid = s * NC + c
        base = s * RT
        pltpu.sync_copy(zrows_hbm.at[pl.ds(base, RT)], acc.at[pl.ds(base, RT)])
        pltpu.sync_copy(src_hbm.at[wid], src_v)
        pltpu.sync_copy(dst_hbm.at[wid], dst_v)
        plsc.subcore_barrier()

        @pl.loop(0, CPW)
        def _chunk(j):
            pltpu.async_copy(x_hbm.at[src_v.at[j]], rows_v, sem).wait()
            pltpu.sync_copy(rows_v, acc.at[dst_v.at[j]], add=True)

        plsc.subcore_barrier()
        pltpu.sync_copy(acc.at[pl.ds(base, RT)], out_hbm.at[c, pl.ds(base, RT)])

    fn = pl.kernel(body,
                   out_type=jax.ShapeDtypeStruct((NC, NP, d), jnp.float32),
                   mesh=_sc_mesh(), scratch_types=scratch)
    return fn(x_pad, src_w, dst_w, jnp.zeros((NP, d), jnp.float32))


def _sc_deg_call(dst_f):
    scratch = [
        pltpu.VMEM((CPW, CH), jnp.int32),
        pltpu.VMEM((CH, D), jnp.float32),
        pltpu.VMEM_SHARED((NP, D), jnp.float32),
    ]

    def body(dst_hbm, zdeg_hbm, ones_hbm, degout_hbm, dst_v, ones_v, dacc):
        c = lax.axis_index("c")
        s = lax.axis_index("s")
        base = s * RT
        wid = s * NC + c
        pltpu.sync_copy(zdeg_hbm.at[pl.ds(base, RT)], dacc.at[pl.ds(base, RT)])
        pltpu.sync_copy(ones_hbm, ones_v)
        pltpu.sync_copy(dst_hbm.at[wid], dst_v)
        plsc.subcore_barrier()

        @pl.loop(0, CPW)
        def _chunk(j):
            pltpu.sync_copy(ones_v, dacc.at[dst_v.at[j]], add=True)

        plsc.subcore_barrier()
        pltpu.sync_copy(dacc.at[pl.ds(base, RT)],
                        degout_hbm.at[c, pl.ds(base, RT)])

    fn = pl.kernel(body,
                   out_type=jax.ShapeDtypeStruct((NC, NP, D), jnp.float32),
                   mesh=_sc_mesh(), scratch_types=scratch)
    return fn(dst_f, jnp.zeros((NP, D), jnp.float32),
              jnp.ones((CH, D), jnp.float32))


def kernel(X, adj, y, enc0_Wl, enc0_bl, enc0_Wr, enc1_Wl, enc1_bl, enc1_Wr,
           enc2_Wl, enc2_bl, enc2_Wr, mt_Wl, mt_bl, mt_Wr, mt2_Wl, mt2_bl,
           mt2_Wr, mt3_Wl, mt3_bl, mt3_Wr):
    x = X[0, 0]
    x_pad = jnp.pad(x, ((0, NP - N), (0, 0)))
    src, dst = adj[0], adj[1]
    y_pad = jnp.pad(y[0], ((0, NP - N), (0, 0)))

    wl_cat = jnp.concatenate([mt_Wl, mt2_Wl, mt3_Wl], axis=1)
    wr_cat = jnp.concatenate([mt_Wr, mt2_Wr, mt3_Wr], axis=1)
    bl_cat = jnp.concatenate([mt_bl, mt2_bl, mt3_bl], axis=0)

    pad_dst = N + (jnp.arange(EPAD - E, dtype=jnp.int32) % (NP - N))
    src_w = jnp.concatenate([src, jnp.zeros((EPAD - E,), jnp.int32)]
                            ).reshape(W, CPW, CH)
    dst_w = jnp.concatenate([dst, pad_dst]).reshape(W, CPW, CH)

    degf = _sc_deg_call(dst_w)
    acc0 = _sc_agg_call(x_pad, src_w, dst_w, D)
    h1, degc = _layer1_call(acc0, degf, x_pad, enc0_Wl, enc0_bl, enc0_Wr)
    deg2 = degc[None]
    acc1 = _sc_agg_call(h1, src_w, dst_w, D)
    h2 = _layer_call(acc1, deg2, h1, enc1_Wl, enc1_bl, enc1_Wr, "relu")
    acc2 = _sc_agg_call(h2, src_w, dst_w, D)
    h3 = _layer_call(acc2, deg2, h2, enc2_Wl, enc2_bl, enc2_Wr, "sigmoid")
    acch = _sc_agg_call(h3, src_w, dst_w, D)
    loss = _loss_call(acch, deg2, h3, wl_cat, wr_cat, bl_cat, y_pad)
    return loss[0, 0]

# --- scband reference (transcript-rebuilt; emitter-appended) ---
"""Pipeline reference for scband-mtclf-39822936769202 (READ-ONLY COPY).

The authoritative reference and input builder live on the scoring server;
editing this copy changes nothing except your own understanding.
"""

import jax, jax.numpy as jnp
import numpy as np

N = 10000
E = 320000
D = 128
OUT = 128
NCL = 16


def _init_w(key, shape):
    return jax.random.normal(key, shape, dtype=jnp.float32) * (1.0 / np.sqrt(shape[0]))


def setup_inputs(seed: int = 0) -> dict:
    key = jax.random.key(seed)
    ks = jax.random.split(key, 32)
    inp = {}
    inp['X'] = jax.random.normal(ks[0], (1, 1, N, D), dtype=jnp.float32)
    inp['adj'] = jax.random.randint(ks[1], (2, E), 0, N, dtype=jnp.int32)
    inp['y'] = jax.random.randint(ks[2], (1, N, 3), 0, NCL, dtype=jnp.int32)
    layers = [('enc0', D, D), ('enc1', D, D), ('enc2', D, OUT), ('mt', OUT, NCL), ('mt2', OUT, NCL), ('mt3', OUT, NCL)]
    i = 3
    for name, din, dout in layers:
        inp[name + '_Wl'] = _init_w(ks[i], (din, dout)); i += 1
        inp[name + '_bl'] = jnp.zeros((dout,), dtype=jnp.float32)
        inp[name + '_Wr'] = _init_w(ks[i], (din, dout)); i += 1
    return inp


def _sage(x, src, dst, Wl, bl, Wr):
    # torch_geometric SAGEConv (mean aggregation, root_weight=True):
    # out = lin_l(mean_{j in N(i)} x_j) + lin_r(x_i)
    msg = x[src]
    agg = jax.ops.segment_sum(msg, dst, num_segments=x.shape[0])
    deg = jax.ops.segment_sum(jnp.ones((src.shape[0],), x.dtype), dst, num_segments=x.shape[0])
    mean = agg / jnp.clip(deg, 1.0)[:, None]
    return mean @ Wl + bl + x @ Wr


def _ce(logits, labels):
    logp = jax.nn.log_softmax(logits, axis=-1)
    return -jnp.mean(jnp.take_along_axis(logp, labels[:, None], axis=1))


def reference(X, adj, y, enc0_Wl, enc0_bl, enc0_Wr, enc1_Wl, enc1_bl, enc1_Wr, enc2_Wl, enc2_bl, enc2_Wr, mt_Wl, mt_bl, mt_Wr, mt2_Wl, mt2_bl, mt2_Wr, mt3_Wl, mt3_bl, mt3_Wr):
    src, dst = adj[0], adj[1]
    # LASAGE encoder: concat=1, num_layers=3, dropout=0.0 (no-op)
    x = X[0][0]
    h1 = jax.nn.relu(_sage(x, src, dst, enc0_Wl, enc0_bl, enc0_Wr))
    h2 = jax.nn.relu(_sage(h1, src, dst, enc1_Wl, enc1_bl, enc1_Wr))
    h3 = _sage(h2, src, dst, enc2_Wl, enc2_bl, enc2_Wr)
    h = jax.nn.sigmoid(h3)
    o0 = jax.nn.sigmoid(_sage(h, src, dst, mt_Wl, mt_bl, mt_Wr))
    o1 = jax.nn.sigmoid(_sage(h, src, dst, mt2_Wl, mt2_bl, mt2_Wr))
    o2 = jax.nn.sigmoid(_sage(h, src, dst, mt3_Wl, mt3_bl, mt3_Wr))
    yk = y[0]
    loss = _ce(o0, yk[:, 0]) + _ce(o1, yk[:, 1]) + _ce(o2, yk[:, 2])
    return loss

if __name__ == "__main__":
    import jax
    _d = setup_inputs()
    print(jax.jit(kernel)(*tuple(_d.values())))

</pallas_src>

<mosaic_0001>
#map = affine_map<(d0, d1) -> (0, 0)>
#map1 = affine_map<(d0, d1) -> (0, 0, 0)>
module attributes {stable_mosaic.version = 14 : i64} {
  func.func @body(%arg0: i32, %arg1: i32, %arg2: memref<10240x128xf32, #tpu.memory_space<hbm>>, %arg3: memref<32x79x128xi32, #tpu.memory_space<hbm>>, %arg4: memref<32x79x128xi32, #tpu.memory_space<hbm>>, %arg5: memref<10240x128xf32, #tpu.memory_space<hbm>>, %arg6: memref<2x10240x128xf32, #tpu.memory_space<hbm>>, %arg7: memref<79x128xi32, #tpu.memory_space<vmem>>, %arg8: memref<79x128xi32, #tpu.memory_space<vmem>>, %arg9: memref<128x128xf32, #tpu.memory_space<vmem>>, %arg10: memref<10240x128xf32, #tpu.memory_space<vmem_shared>>, %arg11: memref<!tpu.dma_semaphore, #tpu.memory_space<semaphore_mem>>) attributes {dimension_semantics = [#tpu.dimension_semantics<core_parallel>, #tpu.dimension_semantics<subcore_parallel>], iteration_bounds = array<i64: 2, 16>, scalar_prefetch = 0 : i64, scratch_operands = 5 : i64, tpu.core_type = #tpu.core_type<sc_vector_subcore>, window_params = [{transform_indices = #map}, {transform_indices = #map1}, {transform_indices = #map1}, {transform_indices = #map}, {transform_indices = #map1}]} {
    %mul3A = arith.constant 2 : i32
    %mul3A_0 = arith.muli %arg1, %mul3A : i32
    %add3A = arith.addi %mul3A_0, %arg0 : i32
    %mul3A_1 = arith.constant 640 : i32
    %mul3A_2 = arith.muli %arg1, %mul3A_1 : i32
    "tpu.region"() ({
      %run_scoped3A = tpu.sem_alloc : memref<!tpu.dma_semaphore, #tpu.memory_space<semaphore_mem>>
      %dma_start3A = arith.constant 0 : i32
      %dma_start3A_8 = tpu.memref_slice %arg10[%mul3A_2, %dma_start3A] : memref<10240x128xf32, #tpu.memory_space<vmem_shared>> -> memref<640x128xf32, #tpu.memory_space<vmem_shared>>
      %dma_start3A_9 = arith.constant 0 : i32
      %dma_start3A_10 = tpu.memref_slice %arg5[%mul3A_2, %dma_start3A_9] : memref<10240x128xf32, #tpu.memory_space<hbm>> -> memref<640x128xf32, #tpu.memory_space<hbm>>
      tpu.enqueue_dma source(%dma_start3A_10 : memref<640x128xf32, #tpu.memory_space<hbm>>) target(%dma_start3A_8 : memref<640x128xf32, #tpu.memory_space<vmem_shared>>) target_semaphore(%run_scoped3A : memref<!tpu.dma_semaphore, #tpu.memory_space<semaphore_mem>>)
      %dma_wait3A = arith.constant 0 : i32
      %dma_wait3A_11 = tpu.memref_slice %arg10[%mul3A_2, %dma_wait3A] : memref<10240x128xf32, #tpu.memory_space<vmem_shared>> -> memref<640x128xf32, #tpu.memory_space<vmem_shared>>
      %dma_wait3A_12 = arith.constant 0 : i32
      %dma_wait3A_13 = tpu.memref_slice %arg5[%mul3A_2, %dma_wait3A_12] : memref<10240x128xf32, #tpu.memory_space<hbm>> -> memref<640x128xf32, #tpu.memory_space<hbm>>
      tpu.wait_dma2 semaphore(%run_scoped3A : memref<!tpu.dma_semaphore, #tpu.memory_space<semaphore_mem>>) src(%dma_wait3A_13 : memref<640x128xf32, #tpu.memory_space<hbm>>) dst(%dma_wait3A_11 : memref<640x128xf32, #tpu.memory_space<vmem_shared>>)
      tpu.yield
    }) : () -> ()
    "tpu.region"() ({
      %run_scoped3A = tpu.sem_alloc : memref<!tpu.dma_semaphore, #tpu.memory_space<semaphore_mem>>
      %dma_start3A = arith.constant 0 : i32
      %dma_start3A_8 = arith.constant 0 : i32
      %dma_start3A_9 = tpu.memref_slice %arg3[%add3A, %dma_start3A, %dma_start3A_8] : memref<32x79x128xi32, #tpu.memory_space<hbm>> -> memref<1x79x128xi32, #tpu.memory_space<hbm>>
      %dma_start3A_10 = tpu.memref_squeeze %dma_start3A_9 : memref<1x79x128xi32, #tpu.memory_space<hbm>> -> memref<79x128xi32, #tpu.memory_space<hbm>>
      %dma_start3A_11 = arith.constant 0 : i32
      %dma_start3A_12 = arith.constant 0 : i32
      %dma_start3A_13 = tpu.memref_slice %arg3[%add3A, %dma_start3A_11, %dma_start3A_12] : memref<32x79x128xi32, #tpu.memory_space<hbm>> -> memref<1x79x128xi32, #tpu.memory_space<hbm>>
      %dma_start3A_14 = tpu.memref_squeeze %dma_start3A_13 : memref<1x79x128xi32, #tpu.memory_space<hbm>> -> memref<79x128xi32, #tpu.memory_space<hbm>>
      tpu.enqueue_dma source(%dma_start3A_14 : memref<79x128xi32, #tpu.memory_space<hbm>>) target(%arg7 : memref<79x128xi32, #tpu.memory_space<vmem>>) target_semaphore(%run_scoped3A : memref<!tpu.dma_semaphore, #tpu.memory_space<semaphore_mem>>)
      %dma_wait3A = arith.constant 0 : i32
      %dma_wait3A_15 = arith.constant 0 : i32
      %dma_wait3A_16 = tpu.memref_slice %arg3[%add3A, %dma_wait3A, %dma_wait3A_15] : memref<32x79x128xi32, #tpu.memory_space<hbm>> -> memref<1x79x128xi32, #tpu.memory_space<hbm>>
      %dma_wait3A_17 = tpu.memref_squeeze %dma_wait3A_16 : memref<1x79x128xi32, #tpu.memory_space<hbm>> -> memref<79x128xi32, #tpu.memory_space<hbm>>
      %dma_wait3A_18 = arith.constant 0 : i32
      %dma_wait3A_19 = arith.constant 0 : i32
      %dma_wait3A_20 = tpu.memref_slice %arg3[%add3A, %dma_wait3A_18, %dma_wait3A_19] : memref<32x79x128xi32, #tpu.memory_space<hbm>> -> memref<1x79x128xi32, #tpu.memory_space<hbm>>
      %dma_wait3A_21 = tpu.memref_squeeze %dma_wait3A_20 : memref<1x79x128xi32, #tpu.memory_space<hbm>> -> memref<79x128xi32, #tpu.memory_space<hbm>>
      tpu.wait_dma2 semaphore(%run_scoped3A : memref<!tpu.dma_semaphore, #tpu.memory_space<semaphore_mem>>) src(%dma_wait3A_21 : memref<79x128xi32, #tpu.memory_space<hbm>>) dst(%arg7 : memref<79x128xi32, #tpu.memory_space<vmem>>)
      tpu.yield
    }) : () -> ()
    "tpu.region"() ({
      %run_scoped3A = tpu.sem_alloc : memref<!tpu.dma_semaphore, #tpu.memory_space<semaphore_mem>>
      %dma_start3A = arith.constant 0 : i32
      %dma_start3A_8 = arith.constant 0 : i32
      %dma_start3A_9 = tpu.memref_slice %arg4[%add3A, %dma_start3A, %dma_start3A_8] : memref<32x79x128xi32, #tpu.memory_space<hbm>> -> memref<1x79x128xi32, #tpu.memory_space<hbm>>
      %dma_start3A_10 = tpu.memref_squeeze %dma_start3A_9 : memref<1x79x128xi32, #tpu.memory_space<hbm>> -> memref<79x128xi32, #tpu.memory_space<hbm>>
      %dma_start3A_11 = arith.constant 0 : i32
      %dma_start3A_12 = arith.constant 0 : i32
      %dma_start3A_13 = tpu.memref_slice %arg4[%add3A, %dma_start3A_11, %dma_start3A_12] : memref<32x79x128xi32, #tpu.memory_space<hbm>> -> memref<1x79x128xi32, #tpu.memory_space<hbm>>
      %dma_start3A_14 = tpu.memref_squeeze %dma_start3A_13 : memref<1x79x128xi32, #tpu.memory_space<hbm>> -> memref<79x128xi32, #tpu.memory_space<hbm>>
      tpu.enqueue_dma source(%dma_start3A_14 : memref<79x128xi32, #tpu.memory_space<hbm>>) target(%arg8 : memref<79x128xi32, #tpu.memory_space<vmem>>) target_semaphore(%run_scoped3A : memref<!tpu.dma_semaphore, #tpu.memory_space<semaphore_mem>>)
      %dma_wait3A = arith.constant 0 : i32
      %dma_wait3A_15 = arith.constant 0 : i32
      %dma_wait3A_16 = tpu.memref_slice %arg4[%add3A, %dma_wait3A, %dma_wait3A_15] : memref<32x79x128xi32, #tpu.memory_space<hbm>> -> memref<1x79x128xi32, #tpu.memory_space<hbm>>
      %dma_wait3A_17 = tpu.memref_squeeze %dma_wait3A_16 : memref<1x79x128xi32, #tpu.memory_space<hbm>> -> memref<79x128xi32, #tpu.memory_space<hbm>>
      %dma_wait3A_18 = arith.constant 0 : i32
      %dma_wait3A_19 = arith.constant 0 : i32
      %dma_wait3A_20 = tpu.memref_slice %arg4[%add3A, %dma_wait3A_18, %dma_wait3A_19] : memref<32x79x128xi32, #tpu.memory_space<hbm>> -> memref<1x79x128xi32, #tpu.memory_space<hbm>>
      %dma_wait3A_21 = tpu.memref_squeeze %dma_wait3A_20 : memref<1x79x128xi32, #tpu.memory_space<hbm>> -> memref<79x128xi32, #tpu.memory_space<hbm>>
      tpu.wait_dma2 semaphore(%run_scoped3A : memref<!tpu.dma_semaphore, #tpu.memory_space<semaphore_mem>>) src(%dma_wait3A_21 : memref<79x128xi32, #tpu.memory_space<hbm>>) dst(%arg8 : memref<79x128xi32, #tpu.memory_space<vmem>>)
      tpu.yield
    }) : () -> ()
    %barrier3A = arith.constant 0 : index
    tpu.barrier barrier_id(%barrier3A)
    %scan3A = arith.constant 0 : i32
    %scan3A_3 = arith.constant 79 : i32
    %scan3A_4 = arith.addi %scan3A, %scan3A_3 : i32
    %scan3A_5 = arith.constant 1 : i32
    scf.for %scan3A_8 = %scan3A to %scan3A_4 step %scan3A_5  : i32 {
      %mul3A_9 = arith.constant 1 : i32
      %mul3A_10 = arith.muli %scan3A_8, %mul3A_9 : i32
      %add3A_11 = arith.constant 0 : i32
      %add3A_12 = arith.addi %add3A_11, %mul3A_10 : i32
      %dma_start3A = arith.constant 0 : i32
      %dma_start3A_13 = tpu.memref_slice %arg7[%add3A_12, %dma_start3A] : memref<79x128xi32, #tpu.memory_space<vmem>> -> memref<1x128xi32, #tpu.memory_space<vmem>>
      %dma_start3A_14 = tpu.memref_squeeze %dma_start3A_13 : memref<1x128xi32, #tpu.memory_space<vmem>> -> memref<128xi32, #tpu.memory_space<vmem>>
      %dma_start3A_15 = arith.constant 0 : i32
      %dma_start3A_16 = arith.constant 0 : i32
      %dma_start3A_17 = tpu.memref_slice %arg2[%dma_start3A_15, %dma_start3A_16] : memref<10240x128xf32, #tpu.memory_space<hbm>> -> memref<10240x128xf32, #tpu.memory_space<hbm>>
      tpu.enqueue_indirect_dma source(%dma_start3A_17 : memref<10240x128xf32, #tpu.memory_space<hbm>>) target(%arg9 : memref<128x128xf32, #tpu.memory_space<vmem>>) offsets(%dma_start3A_14 : memref<128xi32, #tpu.memory_space<vmem>>) semaphore(%arg11 : memref<!tpu.dma_semaphore, #tpu.memory_space<semaphore_mem>>)
      %dma_wait3A = arith.constant 0 : i32
      %dma_wait3A_18 = tpu.memref_slice %arg7[%add3A_12, %dma_wait3A] : memref<79x128xi32, #tpu.memory_space<vmem>> -> memref<1x128xi32, #tpu.memory_space<vmem>>
      %dma_wait3A_19 = tpu.memref_squeeze %dma_wait3A_18 : memref<1x128xi32, #tpu.memory_space<vmem>> -> memref<128xi32, #tpu.memory_space<vmem>>
      %dma_wait3A_20 = arith.constant 0 : i32
      %dma_wait3A_21 = arith.constant 0 : i32
      %dma_wait3A_22 = tpu.memref_slice %arg2[%dma_wait3A_20, %dma_wait3A_21] : memref<10240x128xf32, #tpu.memory_space<hbm>> -> memref<10240x128xf32, #tpu.memory_space<hbm>>
      tpu.wait_indirect_dma semaphore(%arg11 : memref<!tpu.dma_semaphore, #tpu.memory_space<semaphore_mem>>) src(%dma_wait3A_22 : memref<10240x128xf32, #tpu.memory_space<hbm>>) dst(%arg9 : memref<128x128xf32, #tpu.memory_space<vmem>>)
      "tpu.region"() ({
        %run_scoped3A = tpu.sem_alloc : memref<!tpu.dma_semaphore, #tpu.memory_space<semaphore_mem>>
        %dma_start3A_23 = arith.constant 0 : i32
        %dma_start3A_24 = tpu.memref_slice %arg8[%add3A_12, %dma_start3A_23] : memref<79x128xi32, #tpu.memory_space<vmem>> -> memref<1x128xi32, #tpu.memory_space<vmem>>
        %dma_start3A_25 = tpu.memref_squeeze %dma_start3A_24 : memref<1x128xi32, #tpu.memory_space<vmem>> -> memref<128xi32, #tpu.memory_space<vmem>>
        %dma_start3A_26 = arith.constant 0 : i32
        %dma_start3A_27 = arith.constant 0 : i32
        %dma_start3A_28 = tpu.memref_slice %arg10[%dma_start3A_26, %dma_start3A_27] : memref<10240x128xf32, #tpu.memory_space<vmem_shared>> -> memref<10240x128xf32, #tpu.memory_space<vmem_shared>>
        tpu.enqueue_indirect_dma source(%arg9 : memref<128x128xf32, #tpu.memory_space<vmem>>) target(%dma_start3A_28 : memref<10240x128xf32, #tpu.memory_space<vmem_shared>>) offsets(%dma_start3A_25 : memref<128xi32, #tpu.memory_space<vmem>>) semaphore(%run_scoped3A : memref<!tpu.dma_semaphore, #tpu.memory_space<semaphore_mem>>) {add = true}
        %dma_wait3A_29 = arith.constant 0 : i32
        %dma_wait3A_30 = tpu.memref_slice %arg8[%add3A_12, %dma_wait3A_29] : memref<79x128xi32, #tpu.memory_space<vmem>> -> memref<1x128xi32, #tpu.memory_space<vmem>>
        %dma_wait3A_31 = tpu.memref_squeeze %dma_wait3A_30 : memref<1x128xi32, #tpu.memory_space<vmem>> -> memref<128xi32, #tpu.memory_space<vmem>>
        %dma_wait3A_32 = arith.constant 0 : i32
        %dma_wait3A_33 = arith.constant 0 : i32
        %dma_wait3A_34 = tpu.memref_slice %arg10[%dma_wait3A_32, %dma_wait3A_33] : memref<10240x128xf32, #tpu.memory_space<vmem_shared>> -> memref<10240x128xf32, #tpu.memory_space<vmem_shared>>
        tpu.wait_indirect_dma semaphore(%run_scoped3A : memref<!tpu.dma_semaphore, #tpu.memory_space<semaphore_mem>>) src(%arg9 : memref<128x128xf32, #tpu.memory_space<vmem>>) dst(%dma_wait3A_34 : memref<10240x128xf32, #tpu.memory_space<vmem_shared>>)
        tpu.yield
      }) : () -> ()
    }
    %scan3A_6 = arith.constant 79 : i32
    %barrier3A_7 = arith.constant 0 : index
    tpu.barrier barrier_id(%barrier3A_7)
    "tpu.region"() ({
      %run_scoped3A = tpu.sem_alloc : memref<!tpu.dma_semaphore, #tpu.memory_space<semaphore_mem>>
      %dma_start3A = arith.constant 0 : i32
      %dma_start3A_8 = tpu.memref_slice %arg6[%arg0, %mul3A_2, %dma_start3A] : memref<2x10240x128xf32, #tpu.memory_space<hbm>> -> memref<1x640x128xf32, #tpu.memory_space<hbm>>
      %dma_start3A_9 = tpu.memref_squeeze %dma_start3A_8 : memref<1x640x128xf32, #tpu.memory_space<hbm>> -> memref<640x128xf32, #tpu.memory_space<hbm>>
      %dma_start3A_10 = arith.constant 0 : i32
      %dma_start3A_11 = tpu.memref_slice %arg10[%mul3A_2, %dma_start3A_10] : memref<10240x128xf32, #tpu.memory_space<vmem_shared>> -> memref<640x128xf32, #tpu.memory_space<vmem_shared>>
      tpu.enqueue_dma source(%dma_start3A_11 : memref<640x128xf32, #tpu.memory_space<vmem_shared>>) target(%dma_start3A_9 : memref<640x128xf32, #tpu.memory_space<hbm>>) target_semaphore(%run_scoped3A : memref<!tpu.dma_semaphore, #tpu.memory_space<semaphore_mem>>)
      %dma_wait3A = arith.constant 0 : i32
      %dma_wait3A_12 = tpu.memref_slice %arg6[%arg0, %mul3A_2, %dma_wait3A] : memref<2x10240x128xf32, #tpu.memory_space<hbm>> -> memref<1x640x128xf32, #tpu.memory_space<hbm>>
      %dma_wait3A_13 = tpu.memref_squeeze %dma_wait3A_12 : memref<1x640x128xf32, #tpu.memory_space<hbm>> -> memref<640x128xf32, #tpu.memory_space<hbm>>
      %dma_wait3A_14 = arith.constant 0 : i32
      %dma_wait3A_15 = tpu.memref_slice %arg10[%mul3A_2, %dma_wait3A_14] : memref<10240x128xf32, #tpu.memory_space<vmem_shared>> -> memref<640x128xf32, #tpu.memory_space<vmem_shared>>
      tpu.wait_dma2 semaphore(%run_scoped3A : memref<!tpu.dma_semaphore, #tpu.memory_space<semaphore_mem>>) src(%dma_wait3A_15 : memref<640x128xf32, #tpu.memory_space<vmem_shared>>) dst(%dma_wait3A_13 : memref<640x128xf32, #tpu.memory_space<hbm>>)
      tpu.yield
    }) : () -> ()
    return
  }
}

#map = affine_map<(d0, d1) -> (0, 0)>
#map1 = affine_map<(d0, d1) -> (0, 0, 0)>
module attributes {stable_mosaic.version = 14 : i64} {
  func.func @body(%arg0: i32, %arg1: i32, %arg2: memref<10240x128xf32, #tpu.memory_space<hbm>>, %arg3: memref<32x79x128xi32, #tpu.memory_space<hbm>>, %arg4: memref<32x79x128xi32, #tpu.memory_space<hbm>>, %arg5: memref<10240x128xf32, #tpu.memory_space<hbm>>, %arg6: memref<2x10240x128xf32, #tpu.memory_space<hbm>>, %arg7: memref<79x128xi32, #tpu.memory_space<vmem>>, %arg8: memref<79x128xi32, #tpu.memory_space<vmem>>, %arg9: memref<128x128xf32, #tpu.memory_space<vmem>>, %arg10: memref<10240x128xf32, #tpu.memory_space<vmem_shared>>, %arg11: memref<!tpu.dma_semaphore, #tpu.memory_space<semaphore_mem>>) attributes {dimension_semantics = [#tpu.dimension_semantics<core_parallel>, #tpu.dimension_semantics<subcore_parallel>], iteration_bounds = array<i64: 2, 16>, scalar_prefetch = 0 : i64, scratch_operands = 5 : i64, tpu.core_type = #tpu.core_type<sc_vector_subcore>, window_params = [{transform_indices = #map}, {transform_indices = #map1}, {transform_indices = #map1}, {transform_indices = #map}, {transform_indices = #map1}]} {
    %mul3A = arith.constant 2 : i32
    %mul3A_0 = arith.muli %arg1, %mul3A : i32
    %add3A = arith.addi %mul3A_0, %arg0 : i32
    %mul3A_1 = arith.constant 640 : i32
    %mul3A_2 = arith.muli %arg1, %mul3A_1 : i32
    "tpu.region"() ({
      %run_scoped3A = tpu.sem_alloc : memref<!tpu.dma_semaphore, #tpu.memory_space<semaphore_mem>>
      %dma_start3A = arith.constant 0 : i32
      %dma_start3A_8 = tpu.memref_slice %arg10[%mul3A_2, %dma_start3A] : memref<10240x128xf32, #tpu.memory_space<vmem_shared>> -> memref<640x128xf32, #tpu.memory_space<vmem_shared>>
      %dma_start3A_9 = arith.constant 0 : i32
      %dma_start3A_10 = tpu.memref_slice %arg5[%mul3A_2, %dma_start3A_9] : memref<10240x128xf32, #tpu.memory_space<hbm>> -> memref<640x128xf32, #tpu.memory_space<hbm>>
      tpu.enqueue_dma source(%dma_start3A_10 : memref<640x128xf32, #tpu.memory_space<hbm>>) target(%dma_start3A_8 : memref<640x128xf32, #tpu.memory_space<vmem_shared>>) target_semaphore(%run_scoped3A : memref<!tpu.dma_semaphore, #tpu.memory_space<semaphore_mem>>)
      %dma_wait3A = arith.constant 0 : i32
      %dma_wait3A_11 = tpu.memref_slice %arg10[%mul3A_2, %dma_wait3A] : memref<10240x128xf32, #tpu.memory_space<vmem_shared>> -> memref<640x128xf32, #tpu.memory_space<vmem_shared>>
      %dma_wait3A_12 = arith.constant 0 : i32
      %dma_wait3A_13 = tpu.memref_slice %arg5[%mul3A_2, %dma_wait3A_12] : memref<10240x128xf32, #tpu.memory_space<hbm>> -> memref<640x128xf32, #tpu.memory_space<hbm>>
      tpu.wait_dma2 semaphore(%run_scoped3A : memref<!tpu.dma_semaphore, #tpu.memory_space<semaphore_mem>>) src(%dma_wait3A_13 : memref<640x128xf32, #tpu.memory_space<hbm>>) dst(%dma_wait3A_11 : memref<640x128xf32, #tpu.memory_space<vmem_shared>>)
      tpu.yield
    }) : () -> ()
    "tpu.region"() ({
      %run_scoped3A = tpu.sem_alloc : memref<!tpu.dma_semaphore, #tpu.memory_space<semaphore_mem>>
      %dma_start3A = arith.constant 0 : i32
      %dma_start3A_8 = arith.constant 0 : i32
      %dma_start3A_9 = tpu.memref_slice %arg3[%add3A, %dma_start3A, %dma_start3A_8] : memref<32x79x128xi32, #tpu.memory_space<hbm>> -> memref<1x79x128xi32, #tpu.memory_space<hbm>>
      %dma_start3A_10 = tpu.memref_squeeze %dma_start3A_9 : memref<1x79x128xi32, #tpu.memory_space<hbm>> -> memref<79x128xi32, #tpu.memory_space<hbm>>
      %dma_start3A_11 = arith.constant 0 : i32
      %dma_start3A_12 = arith.constant 0 : i32
      %dma_start3A_13 = tpu.memref_slice %arg3[%add3A, %dma_start3A_11, %dma_start3A_12] : memref<32x79x128xi32, #tpu.memory_space<hbm>> -> memref<1x79x128xi32, #tpu.memory_space<hbm>>
      %dma_start3A_14 = tpu.memref_squeeze %dma_start3A_13 : memref<1x79x128xi32, #tpu.memory_space<hbm>> -> memref<79x128xi32, #tpu.memory_space<hbm>>
      tpu.enqueue_dma source(%dma_start3A_14 : memref<79x128xi32, #tpu.memory_space<hbm>>) target(%arg7 : memref<79x128xi32, #tpu.memory_space<vmem>>) target_semaphore(%run_scoped3A : memref<!tpu.dma_semaphore, #tpu.memory_space<semaphore_mem>>)
      %dma_wait3A = arith.constant 0 : i32
      %dma_wait3A_15 = arith.constant 0 : i32
      %dma_wait3A_16 = tpu.memref_slice %arg3[%add3A, %dma_wait3A, %dma_wait3A_15] : memref<32x79x128xi32, #tpu.memory_space<hbm>> -> memref<1x79x128xi32, #tpu.memory_space<hbm>>
      %dma_wait3A_17 = tpu.memref_squeeze %dma_wait3A_16 : memref<1x79x128xi32, #tpu.memory_space<hbm>> -> memref<79x128xi32, #tpu.memory_space<hbm>>
      %dma_wait3A_18 = arith.constant 0 : i32
      %dma_wait3A_19 = arith.constant 0 : i32
      %dma_wait3A_20 = tpu.memref_slice %arg3[%add3A, %dma_wait3A_18, %dma_wait3A_19] : memref<32x79x128xi32, #tpu.memory_space<hbm>> -> memref<1x79x128xi32, #tpu.memory_space<hbm>>
      %dma_wait3A_21 = tpu.memref_squeeze %dma_wait3A_20 : memref<1x79x128xi32, #tpu.memory_space<hbm>> -> memref<79x128xi32, #tpu.memory_space<hbm>>
      tpu.wait_dma2 semaphore(%run_scoped3A : memref<!tpu.dma_semaphore, #tpu.memory_space<semaphore_mem>>) src(%dma_wait3A_21 : memref<79x128xi32, #tpu.memory_space<hbm>>) dst(%arg7 : memref<79x128xi32, #tpu.memory_space<vmem>>)
      tpu.yield
    }) : () -> ()
    "tpu.region"() ({
      %run_scoped3A = tpu.sem_alloc : memref<!tpu.dma_semaphore, #tpu.memory_space<semaphore_mem>>
      %dma_start3A = arith.constant 0 : i32
      %dma_start3A_8 = arith.constant 0 : i32
      %dma_start3A_9 = tpu.memref_slice %arg4[%add3A, %dma_start3A, %dma_start3A_8] : memref<32x79x128xi32, #tpu.memory_space<hbm>> -> memref<1x79x128xi32, #tpu.memory_space<hbm>>
      %dma_start3A_10 = tpu.memref_squeeze %dma_start3A_9 : memref<1x79x128xi32, #tpu.memory_space<hbm>> -> memref<79x128xi32, #tpu.memory_space<hbm>>
      %dma_start3A_11 = arith.constant 0 : i32
      %dma_start3A_12 = arith.constant 0 : i32
      %dma_start3A_13 = tpu.memref_slice %arg4[%add3A, %dma_start3A_11, %dma_start3A_12] : memref<32x79x128xi32, #tpu.memory_space<hbm>> -> memref<1x79x128xi32, #tpu.memory_space<hbm>>
      %dma_start3A_14 = tpu.memref_squeeze %dma_start3A_13 : memref<1x79x128xi32, #tpu.memory_space<hbm>> -> memref<79x128xi32, #tpu.memory_space<hbm>>
      tpu.enqueue_dma source(%dma_start3A_14 : memref<79x128xi32, #tpu.memory_space<hbm>>) target(%arg8 : memref<79x128xi32, #tpu.memory_space<vmem>>) target_semaphore(%run_scoped3A : memref<!tpu.dma_semaphore, #tpu.memory_space<semaphore_mem>>)
      %dma_wait3A = arith.constant 0 : i32
      %dma_wait3A_15 = arith.constant 0 : i32
      %dma_wait3A_16 = tpu.memref_slice %arg4[%add3A, %dma_wait3A, %dma_wait3A_15] : memref<32x79x128xi32, #tpu.memory_space<hbm>> -> memref<1x79x128xi32, #tpu.memory_space<hbm>>
      %dma_wait3A_17 = tpu.memref_squeeze %dma_wait3A_16 : memref<1x79x128xi32, #tpu.memory_space<hbm>> -> memref<79x128xi32, #tpu.memory_space<hbm>>
      %dma_wait3A_18 = arith.constant 0 : i32
      %dma_wait3A_19 = arith.constant 0 : i32
      %dma_wait3A_20 = tpu.memref_slice %arg4[%add3A, %dma_wait3A_18, %dma_wait3A_19] : memref<32x79x128xi32, #tpu.memory_space<hbm>> -> memref<1x79x128xi32, #tpu.memory_space<hbm>>
      %dma_wait3A_21 = tpu.memref_squeeze %dma_wait3A_20 : memref<1x79x128xi32, #tpu.memory_space<hbm>> -> memref<79x128xi32, #tpu.memory_space<hbm>>
      tpu.wait_dma2 semaphore(%run_scoped3A : memref<!tpu.dma_semaphore, #tpu.memory_space<semaphore_mem>>) src(%dma_wait3A_21 : memref<79x128xi32, #tpu.memory_space<hbm>>) dst(%arg8 : memref<79x128xi32, #tpu.memory_space<vmem>>)
      tpu.yield
    }) : () -> ()
    %barrier3A = arith.constant 0 : index
    tpu.barrier barrier_id(%barrier3A)
    %scan3A = arith.constant 0 : i32
    %scan3A_3 = arith.constant 79 : i32
    %scan3A_4 = arith.addi %scan3A, %scan3A_3 : i32
    %scan3A_5 = arith.constant 1 : i32
    scf.for %scan3A_8 = %scan3A to %scan3A_4 step %scan3A_5  : i32 {
      %mul3A_9 = arith.constant 1 : i32
      %mul3A_10 = arith.muli %scan3A_8, %mul3A_9 : i32
      %add3A_11 = arith.constant 0 : i32
      %add3A_12 = arith.addi %add3A_11, %mul3A_10 : i32
      %dma_start3A = arith.constant 0 : i32
      %dma_start3A_13 = tpu.memref_slice %arg7[%add3A_12, %dma_start3A] : memref<79x128xi32, #tpu.memory_space<vmem>> -> memref<1x128xi32, #tpu.memory_space<vmem>>
      %dma_start3A_14 = tpu.memref_squeeze %dma_start3A_13 : memref<1x128xi32, #tpu.memory_space<vmem>> -> memref<128xi32, #tpu.memory_space<vmem>>
      %dma_start3A_15 = arith.constant 0 : i32
      %dma_start3A_16 = arith.constant 0 : i32
      %dma_start3A_17 = tpu.memref_slice %arg2[%dma_start3A_15, %dma_start3A_16] : memref<10240x128xf32, #tpu.memory_space<hbm>> -> memref<10240x128xf32, #tpu.memory_space<hbm>>
      tpu.enqueue_indirect_dma source(%dma_start3A_17 : memref<10240x128xf32, #tpu.memory_space<hbm>>) target(%arg9 : memref<128x128xf32, #tpu.memory_space<vmem>>) offsets(%dma_start3A_14 : memref<128xi32, #tpu.memory_space<vmem>>) semaphore(%arg11 : memref<!tpu.dma_semaphore, #tpu.memory_space<semaphore_mem>>)
      %dma_wait3A = arith.constant 0 : i32
      %dma_wait3A_18 = tpu.memref_slice %arg7[%add3A_12, %dma_wait3A] : memref<79x128xi32, #tpu.memory_space<vmem>> -> memref<1x128xi32, #tpu.memory_space<vmem>>
      %dma_wait3A_19 = tpu.memref_squeeze %dma_wait3A_18 : memref<1x128xi32, #tpu.memory_space<vmem>> -> memref<128xi32, #tpu.memory_space<vmem>>
      %dma_wait3A_20 = arith.constant 0 : i32
      %dma_wait3A_21 = arith.constant 0 : i32
      %dma_wait3A_22 = tpu.memref_slice %arg2[%dma_wait3A_20, %dma_wait3A_21] : memref<10240x128xf32, #tpu.memory_space<hbm>> -> memref<10240x128xf32, #tpu.memory_space<hbm>>
      tpu.wait_indirect_dma semaphore(%arg11 : memref<!tpu.dma_semaphore, #tpu.memory_space<semaphore_mem>>) src(%dma_wait3A_22 : memref<10240x128xf32, #tpu.memory_space<hbm>>) dst(%arg9 : memref<128x128xf32, #tpu.memory_space<vmem>>)
      "tpu.region"() ({
        %run_scoped3A = tpu.sem_alloc : memref<!tpu.dma_semaphore, #tpu.memory_space<semaphore_mem>>
        %dma_start3A_23 = arith.constant 0 : i32
        %dma_start3A_24 = tpu.memref_slice %arg8[%add3A_12, %dma_start3A_23] : memref<79x128xi32, #tpu.memory_space<vmem>> -> memref<1x128xi32, #tpu.memory_space<vmem>>
        %dma_start3A_25 = tpu.memref_squeeze %dma_start3A_24 : memref<1x128xi32, #tpu.memory_space<vmem>> -> memref<128xi32, #tpu.memory_space<vmem>>
        %dma_start3A_26 = arith.constant 0 : i32
        %dma_start3A_27 = arith.constant 0 : i32
        %dma_start3A_28 = tpu.memref_slice %arg10[%dma_start3A_26, %dma_start3A_27] : memref<10240x128xf32, #tpu.memory_space<vmem_shared>> -> memref<10240x128xf32, #tpu.memory_space<vmem_shared>>
        tpu.enqueue_indirect_dma source(%arg9 : memref<128x128xf32, #tpu.memory_space<vmem>>) target(%dma_start3A_28 : memref<10240x128xf32, #tpu.memory_space<vmem_shared>>) offsets(%dma_start3A_25 : memref<128xi32, #tpu.memory_space<vmem>>) semaphore(%run_scoped3A : memref<!tpu.dma_semaphore, #tpu.memory_space<semaphore_mem>>) {add = true}
        %dma_wait3A_29 = arith.constant 0 : i32
        %dma_wait3A_30 = tpu.memref_slice %arg8[%add3A_12, %dma_wait3A_29] : memref<79x128xi32, #tpu.memory_space<vmem>> -> memref<1x128xi32, #tpu.memory_space<vmem>>
        %dma_wait3A_31 = tpu.memref_squeeze %dma_wait3A_30 : memref<1x128xi32, #tpu.memory_space<vmem>> -> memref<128xi32, #tpu.memory_space<vmem>>
        %dma_wait3A_32 = arith.constant 0 : i32
        %dma_wait3A_33 = arith.constant 0 : i32
        %dma_wait3A_34 = tpu.memref_slice %arg10[%dma_wait3A_32, %dma_wait3A_33] : memref<10240x128xf32, #tpu.memory_space<vmem_shared>> -> memref<10240x128xf32, #tpu.memory_space<vmem_shared>>
        tpu.wait_indirect_dma semaphore(%run_scoped3A : memref<!tpu.dma_semaphore, #tpu.memory_space<semaphore_mem>>) src(%arg9 : memref<128x128xf32, #tpu.memory_space<vmem>>) dst(%dma_wait3A_34 : memref<10240x128xf32, #tpu.memory_space<vmem_shared>>)
        tpu.yield
      }) : () -> ()
    }
    %scan3A_6 = arith.constant 79 : i32
    %barrier3A_7 = arith.constant 0 : index
    tpu.barrier barrier_id(%barrier3A_7)
    "tpu.region"() ({
      %run_scoped3A = tpu.sem_alloc : memref<!tpu.dma_semaphore, #tpu.memory_space<semaphore_mem>>
      %dma_start3A = arith.constant 0 : i32
      %dma_start3A_8 = tpu.memref_slice %arg6[%arg0, %mul3A_2, %dma_start3A] : memref<2x10240x128xf32, #tpu.memory_space<hbm>> -> memref<1x640x128xf32, #tpu.memory_space<hbm>>
      %dma_start3A_9 = tpu.memref_squeeze %dma_start3A_8 : memref<1x640x128xf32, #tpu.memory_space<hbm>> -> memref<640x128xf32, #tpu.memory_space<hbm>>
      %dma_start3A_10 = arith.constant 0 : i32
      %dma_start3A_11 = tpu.memref_slice %arg10[%mul3A_2, %dma_start3A_10] : memref<10240x128xf32, #tpu.memory_space<vmem_shared>> -> memref<640x128xf32, #tpu.memory_space<vmem_shared>>
      tpu.enqueue_dma source(%dma_start3A_11 : memref<640x128xf32, #tpu.memory_space<vmem_shared>>) target(%dma_start3A_9 : memref<640x128xf32, #tpu.memory_space<hbm>>) target_semaphore(%run_scoped3A : memref<!tpu.dma_semaphore, #tpu.memory_space<semaphore_mem>>)
      %dma_wait3A = arith.constant 0 : i32
      %dma_wait3A_12 = tpu.memref_slice %arg6[%arg0, %mul3A_2, %dma_wait3A] : memref<2x10240x128xf32, #tpu.memory_space<hbm>> -> memref<1x640x128xf32, #tpu.memory_space<hbm>>
      %dma_wait3A_13 = tpu.memref_squeeze %dma_wait3A_12 : memref<1x640x128xf32, #tpu.memory_space<hbm>> -> memref<640x128xf32, #tpu.memory_space<hbm>>
      %dma_wait3A_14 = arith.constant 0 : i32
      %dma_wait3A_15 = tpu.memref_slice %arg10[%mul3A_2, %dma_wait3A_14] : memref<10240x128xf32, #tpu.memory_space<vmem_shared>> -> memref<640x128xf32, #tpu.memory_space<vmem_shared>>
      tpu.wait_dma2 semaphore(%run_scoped3A : memref<!tpu.dma_semaphore, #tpu.memory_space<semaphore_mem>>) src(%dma_wait3A_15 : memref<640x128xf32, #tpu.memory_space<vmem_shared>>) dst(%dma_wait3A_13 : memref<640x128xf32, #tpu.memory_space<hbm>>)
      tpu.yield
    }) : () -> ()
    return
  }
}

#map = affine_map<(d0, d1) -> (0, 0, 0)>
#map1 = affine_map<(d0, d1) -> (0, 0)>
module attributes {stable_mosaic.version = 14 : i64} {
  func.func @body(%arg0: i32, %arg1: i32, %arg2: memref<32x79x128xi32, #tpu.memory_space<hbm>>, %arg3: memref<10240x128xf32, #tpu.memory_space<hbm>>, %arg4: memref<128x128xf32, #tpu.memory_space<hbm>>, %arg5: memref<2x10240x128xf32, #tpu.memory_space<hbm>>, %arg6: memref<79x128xi32, #tpu.memory_space<vmem>>, %arg7: memref<128x128xf32, #tpu.memory_space<vmem>>, %arg8: memref<10240x128xf32, #tpu.memory_space<vmem_shared>>) attributes {dimension_semantics = [#tpu.dimension_semantics<core_parallel>, #tpu.dimension_semantics<subcore_parallel>], iteration_bounds = array<i64: 2, 16>, scalar_prefetch = 0 : i64, scratch_operands = 3 : i64, tpu.core_type = #tpu.core_type<sc_vector_subcore>, window_params = [{transform_indices = #map}, {transform_indices = #map1}, {transform_indices = #map1}, {transform_indices = #map}]} {
    %mul3A = arith.constant 640 : i32
    %mul3A_0 = arith.muli %arg1, %mul3A : i32
    %mul3A_1 = arith.constant 2 : i32
    %mul3A_2 = arith.muli %arg1, %mul3A_1 : i32
    %add3A = arith.addi %mul3A_2, %arg0 : i32
    "tpu.region"() ({
      %run_scoped3A = tpu.sem_alloc : memref<!tpu.dma_semaphore, #tpu.memory_space<semaphore_mem>>
      %dma_start3A = arith.constant 0 : i32
      %dma_start3A_8 = tpu.memref_slice %arg8[%mul3A_0, %dma_start3A] : memref<10240x128xf32, #tpu.memory_space<vmem_shared>> -> memref<640x128xf32, #tpu.memory_space<vmem_shared>>
      %dma_start3A_9 = arith.constant 0 : i32
      %dma_start3A_10 = tpu.memref_slice %arg3[%mul3A_0, %dma_start3A_9] : memref<10240x128xf32, #tpu.memory_space<hbm>> -> memref<640x128xf32, #tpu.memory_space<hbm>>
      tpu.enqueue_dma source(%dma_start3A_10 : memref<640x128xf32, #tpu.memory_space<hbm>>) target(%dma_start3A_8 : memref<640x128xf32, #tpu.memory_space<vmem_shared>>) target_semaphore(%run_scoped3A : memref<!tpu.dma_semaphore, #tpu.memory_space<semaphore_mem>>)
      %dma_wait3A = arith.constant 0 : i32
      %dma_wait3A_11 = tpu.memref_slice %arg8[%mul3A_0, %dma_wait3A] : memref<10240x128xf32, #tpu.memory_space<vmem_shared>> -> memref<640x128xf32, #tpu.memory_space<vmem_shared>>
      %dma_wait3A_12 = arith.constant 0 : i32
      %dma_wait3A_13 = tpu.memref_slice %arg3[%mul3A_0, %dma_wait3A_12] : memref<10240x128xf32, #tpu.memory_space<hbm>> -> memref<640x128xf32, #tpu.memory_space<hbm>>
      tpu.wait_dma2 semaphore(%run_scoped3A : memref<!tpu.dma_semaphore, #tpu.memory_space<semaphore_mem>>) src(%dma_wait3A_13 : memref<640x128xf32, #tpu.memory_space<hbm>>) dst(%dma_wait3A_11 : memref<640x128xf32, #tpu.memory_space<vmem_shared>>)
      tpu.yield
    }) : () -> ()
    "tpu.region"() ({
      %run_scoped3A = tpu.sem_alloc : memref<!tpu.dma_semaphore, #tpu.memory_space<semaphore_mem>>
      tpu.enqueue_dma source(%arg4 : memref<128x128xf32, #tpu.memory_space<hbm>>) target(%arg7 : memref<128x128xf32, #tpu.memory_space<vmem>>) target_semaphore(%run_scoped3A : memref<!tpu.dma_semaphore, #tpu.memory_space<semaphore_mem>>)
      tpu.wait_dma2 semaphore(%run_scoped3A : memref<!tpu.dma_semaphore, #tpu.memory_space<semaphore_mem>>) src(%arg4 : memref<128x128xf32, #tpu.memory_space<hbm>>) dst(%arg7 : memref<128x128xf32, #tpu.memory_space<vmem>>)
      tpu.yield
    }) : () -> ()
    "tpu.region"() ({
      %run_scoped3A = tpu.sem_alloc : memref<!tpu.dma_semaphore, #tpu.memory_space<semaphore_mem>>
      %dma_start3A = arith.constant 0 : i32
      %dma_start3A_8 = arith.constant 0 : i32
      %dma_start3A_9 = tpu.memref_slice %arg2[%add3A, %dma_start3A, %dma_start3A_8] : memref<32x79x128xi32, #tpu.memory_space<hbm>> -> memref<1x79x128xi32, #tpu.memory_space<hbm>>
      %dma_start3A_10 = tpu.memref_squeeze %dma_start3A_9 : memref<1x79x128xi32, #tpu.memory_space<hbm>> -> memref<79x128xi32, #tpu.memory_space<hbm>>
      %dma_start3A_11 = arith.constant 0 : i32
      %dma_start3A_12 = arith.constant 0 : i32
      %dma_start3A_13 = tpu.memref_slice %arg2[%add3A, %dma_start3A_11, %dma_start3A_12] : memref<32x79x128xi32, #tpu.memory_space<hbm>> -> memref<1x79x128xi32, #tpu.memory_space<hbm>>
      %dma_start3A_14 = tpu.memref_squeeze %dma_start3A_13 : memref<1x79x128xi32, #tpu.memory_space<hbm>> -> memref<79x128xi32, #tpu.memory_space<hbm>>
      tpu.enqueue_dma source(%dma_start3A_14 : memref<79x128xi32, #tpu.memory_space<hbm>>) target(%arg6 : memref<79x128xi32, #tpu.memory_space<vmem>>) target_semaphore(%run_scoped3A : memref<!tpu.dma_semaphore, #tpu.memory_space<semaphore_mem>>)
      %dma_wait3A = arith.constant 0 : i32
      %dma_wait3A_15 = arith.constant 0 : i32
      %dma_wait3A_16 = tpu.memref_slice %arg2[%add3A, %dma_wait3A, %dma_wait3A_15] : memref<32x79x128xi32, #tpu.memory_space<hbm>> -> memref<1x79x128xi32, #tpu.memory_space<hbm>>
      %dma_wait3A_17 = tpu.memref_squeeze %dma_wait3A_16 : memref<1x79x128xi32, #tpu.memory_space<hbm>> -> memref<79x128xi32, #tpu.memory_space<hbm>>
      %dma_wait3A_18 = arith.constant 0 : i32
      %dma_wait3A_19 = arith.constant 0 : i32
      %dma_wait3A_20 = tpu.memref_slice %arg2[%add3A, %dma_wait3A_18, %dma_wait3A_19] : memref<32x79x128xi32, #tpu.memory_space<hbm>> -> memref<1x79x128xi32, #tpu.memory_space<hbm>>
      %dma_wait3A_21 = tpu.memref_squeeze %dma_wait3A_20 : memref<1x79x128xi32, #tpu.memory_space<hbm>> -> memref<79x128xi32, #tpu.memory_space<hbm>>
      tpu.wait_dma2 semaphore(%run_scoped3A : memref<!tpu.dma_semaphore, #tpu.memory_space<semaphore_mem>>) src(%dma_wait3A_21 : memref<79x128xi32, #tpu.memory_space<hbm>>) dst(%arg6 : memref<79x128xi32, #tpu.memory_space<vmem>>)
      tpu.yield
    }) : () -> ()
    %barrier3A = arith.constant 0 : index
    tpu.barrier barrier_id(%barrier3A)
    %scan3A = arith.constant 0 : i32
    %scan3A_3 = arith.constant 79 : i32
    %scan3A_4 = arith.addi %scan3A, %scan3A_3 : i32
    %scan3A_5 = arith.constant 1 : i32
    scf.for %scan3A_8 = %scan3A to %scan3A_4 step %scan3A_5  : i32 {
      %mul3A_9 = arith.constant 1 : i32
      %mul3A_10 = arith.muli %scan3A_8, %mul3A_9 : i32
      %add3A_11 = arith.constant 0 : i32
      %add3A_12 = arith.addi %add3A_11, %mul3A_10 : i32
      "tpu.region"() ({
        %run_scoped3A = tpu.sem_alloc : memref<!tpu.dma_semaphore, #tpu.memory_space<semaphore_mem>>
        %dma_start3A = arith.constant 0 : i32
        %dma_start3A_13 = tpu.memref_slice %arg6[%add3A_12, %dma_start3A] : memref<79x128xi32, #tpu.memory_space<vmem>> -> memref<1x128xi32, #tpu.memory_space<vmem>>
        %dma_start3A_14 = tpu.memref_squeeze %dma_start3A_13 : memref<1x128xi32, #tpu.memory_space<vmem>> -> memref<128xi32, #tpu.memory_space<vmem>>
        %dma_start3A_15 = arith.constant 0 : i32
        %dma_start3A_16 = arith.constant 0 : i32
        %dma_start3A_17 = tpu.memref_slice %arg8[%dma_start3A_15, %dma_start3A_16] : memref<10240x128xf32, #tpu.memory_space<vmem_shared>> -> memref<10240x128xf32, #tpu.memory_space<vmem_shared>>
        tpu.enqueue_indirect_dma source(%arg7 : memref<128x128xf32, #tpu.memory_space<vmem>>) target(%dma_start3A_17 : memref<10240x128xf32, #tpu.memory_space<vmem_shared>>) offsets(%dma_start3A_14 : memref<128xi32, #tpu.memory_space<vmem>>) semaphore(%run_scoped3A : memref<!tpu.dma_semaphore, #tpu.memory_space<semaphore_mem>>) {add = true}
        %dma_wait3A = arith.constant 0 : i32
        %dma_wait3A_18 = tpu.memref_slice %arg6[%add3A_12, %dma_wait3A] : memref<79x128xi32, #tpu.memory_space<vmem>> -> memref<1x128xi32, #tpu.memory_space<vmem>>
        %dma_wait3A_19 = tpu.memref_squeeze %dma_wait3A_18 : memref<1x128xi32, #tpu.memory_space<vmem>> -> memref<128xi32, #tpu.memory_space<vmem>>
        %dma_wait3A_20 = arith.constant 0 : i32
        %dma_wait3A_21 = arith.constant 0 : i32
        %dma_wait3A_22 = tpu.memref_slice %arg8[%dma_wait3A_20, %dma_wait3A_21] : memref<10240x128xf32, #tpu.memory_space<vmem_shared>> -> memref<10240x128xf32, #tpu.memory_space<vmem_shared>>
        tpu.wait_indirect_dma semaphore(%run_scoped3A : memref<!tpu.dma_semaphore, #tpu.memory_space<semaphore_mem>>) src(%arg7 : memref<128x128xf32, #tpu.memory_space<vmem>>) dst(%dma_wait3A_22 : memref<10240x128xf32, #tpu.memory_space<vmem_shared>>)
        tpu.yield
      }) : () -> ()
    }
    %scan3A_6 = arith.constant 79 : i32
    %barrier3A_7 = arith.constant 0 : index
    tpu.barrier barrier_id(%barrier3A_7)
    "tpu.region"() ({
      %run_scoped3A = tpu.sem_alloc : memref<!tpu.dma_semaphore, #tpu.memory_space<semaphore_mem>>
      %dma_start3A = arith.constant 0 : i32
      %dma_start3A_8 = tpu.memref_slice %arg5[%arg0, %mul3A_0, %dma_start3A] : memref<2x10240x128xf32, #tpu.memory_space<hbm>> -> memref<1x640x128xf32, #tpu.memory_space<hbm>>
      %dma_start3A_9 = tpu.memref_squeeze %dma_start3A_8 : memref<1x640x128xf32, #tpu.memory_space<hbm>> -> memref<640x128xf32, #tpu.memory_space<hbm>>
      %dma_start3A_10 = arith.constant 0 : i32
      %dma_start3A_11 = tpu.memref_slice %arg8[%mul3A_0, %dma_start3A_10] : memref<10240x128xf32, #tpu.memory_space<vmem_shared>> -> memref<640x128xf32, #tpu.memory_space<vmem_shared>>
      tpu.enqueue_dma source(%dma_start3A_11 : memref<640x128xf32, #tpu.memory_space<vmem_shared>>) target(%dma_start3A_9 : memref<640x128xf32, #tpu.memory_space<hbm>>) target_semaphore(%run_scoped3A : memref<!tpu.dma_semaphore, #tpu.memory_space<semaphore_mem>>)
      %dma_wait3A = arith.constant 0 : i32
      %dma_wait3A_12 = tpu.memref_slice %arg5[%arg0, %mul3A_0, %dma_wait3A] : memref<2x10240x128xf32, #tpu.memory_space<hbm>> -> memref<1x640x128xf32, #tpu.memory_space<hbm>>
      %dma_wait3A_13 = tpu.memref_squeeze %dma_wait3A_12 : memref<1x640x128xf32, #tpu.memory_space<hbm>> -> memref<640x128xf32, #tpu.memory_space<hbm>>
      %dma_wait3A_14 = arith.constant 0 : i32
      %dma_wait3A_15 = tpu.memref_slice %arg8[%mul3A_0, %dma_wait3A_14] : memref<10240x128xf32, #tpu.memory_space<vmem_shared>> -> memref<640x128xf32, #tpu.memory_space<vmem_shared>>
      tpu.wait_dma2 semaphore(%run_scoped3A : memref<!tpu.dma_semaphore, #tpu.memory_space<semaphore_mem>>) src(%dma_wait3A_15 : memref<640x128xf32, #tpu.memory_space<vmem_shared>>) dst(%dma_wait3A_13 : memref<640x128xf32, #tpu.memory_space<hbm>>)
      tpu.yield
    }) : () -> ()
    return
  }
}

#map = affine_map<(d0, d1) -> (0, 0)>
#map1 = affine_map<(d0, d1) -> (0, 0, 0)>
module attributes {stable_mosaic.version = 14 : i64} {
  func.func @body(%arg0: i32, %arg1: i32, %arg2: memref<10240x128xf32, #tpu.memory_space<hbm>>, %arg3: memref<32x79x128xi32, #tpu.memory_space<hbm>>, %arg4: memref<32x79x128xi32, #tpu.memory_space<hbm>>, %arg5: memref<10240x128xf32, #tpu.memory_space<hbm>>, %arg6: memref<2x10240x128xf32, #tpu.memory_space<hbm>>, %arg7: memref<79x128xi32, #tpu.memory_space<vmem>>, %arg8: memref<79x128xi32, #tpu.memory_space<vmem>>, %arg9: memref<128x128xf32, #tpu.memory_space<vmem>>, %arg10: memref<10240x128xf32, #tpu.memory_space<vmem_shared>>, %arg11: memref<!tpu.dma_semaphore, #tpu.memory_space<semaphore_mem>>) attributes {dimension_semantics = [#tpu.dimension_semantics<core_parallel>, #tpu.dimension_semantics<subcore_parallel>], iteration_bounds = array<i64: 2, 16>, scalar_prefetch = 0 : i64, scratch_operands = 5 : i64, tpu.core_type = #tpu.core_type<sc_vector_subcore>, window_params = [{transform_indices = #map}, {transform_indices = #map1}, {transform_indices = #map1}, {transform_indices = #map}, {transform_indices = #map1}]} {
    %mul3A = arith.constant 2 : i32
    %mul3A_0 = arith.muli %arg1, %mul3A : i32
    %add3A = arith.addi %mul3A_0, %arg0 : i32
    %mul3A_1 = arith.constant 640 : i32
    %mul3A_2 = arith.muli %arg1, %mul3A_1 : i32
    "tpu.region"() ({
      %run_scoped3A = tpu.sem_alloc : memref<!tpu.dma_semaphore, #tpu.memory_space<semaphore_mem>>
      %dma_start3A = arith.constant 0 : i32
      %dma_start3A_8 = tpu.memref_slice %arg10[%mul3A_2, %dma_start3A] : memref<10240x128xf32, #tpu.memory_space<vmem_shared>> -> memref<640x128xf32, #tpu.memory_space<vmem_shared>>
      %dma_start3A_9 = arith.constant 0 : i32
      %dma_start3A_10 = tpu.memref_slice %arg5[%mul3A_2, %dma_start3A_9] : memref<10240x128xf32, #tpu.memory_space<hbm>> -> memref<640x128xf32, #tpu.memory_space<hbm>>
      tpu.enqueue_dma source(%dma_start3A_10 : memref<640x128xf32, #tpu.memory_space<hbm>>) target(%dma_start3A_8 : memref<640x128xf32, #tpu.memory_space<vmem_shared>>) target_semaphore(%run_scoped3A : memref<!tpu.dma_semaphore, #tpu.memory_space<semaphore_mem>>)
      %dma_wait3A = arith.constant 0 : i32
      %dma_wait3A_11 = tpu.memref_slice %arg10[%mul3A_2, %dma_wait3A] : memref<10240x128xf32, #tpu.memory_space<vmem_shared>> -> memref<640x128xf32, #tpu.memory_space<vmem_shared>>
      %dma_wait3A_12 = arith.constant 0 : i32
      %dma_wait3A_13 = tpu.memref_slice %arg5[%mul3A_2, %dma_wait3A_12] : memref<10240x128xf32, #tpu.memory_space<hbm>> -> memref<640x128xf32, #tpu.memory_space<hbm>>
      tpu.wait_dma2 semaphore(%run_scoped3A : memref<!tpu.dma_semaphore, #tpu.memory_space<semaphore_mem>>) src(%dma_wait3A_13 : memref<640x128xf32, #tpu.memory_space<hbm>>) dst(%dma_wait3A_11 : memref<640x128xf32, #tpu.memory_space<vmem_shared>>)
      tpu.yield
    }) : () -> ()
    "tpu.region"() ({
      %run_scoped3A = tpu.sem_alloc : memref<!tpu.dma_semaphore, #tpu.memory_space<semaphore_mem>>
      %dma_start3A = arith.constant 0 : i32
      %dma_start3A_8 = arith.constant 0 : i32
      %dma_start3A_9 = tpu.memref_slice %arg3[%add3A, %dma_start3A, %dma_start3A_8] : memref<32x79x128xi32, #tpu.memory_space<hbm>> -> memref<1x79x128xi32, #tpu.memory_space<hbm>>
      %dma_start3A_10 = tpu.memref_squeeze %dma_start3A_9 : memref<1x79x128xi32, #tpu.memory_space<hbm>> -> memref<79x128xi32, #tpu.memory_space<hbm>>
      %dma_start3A_11 = arith.constant 0 : i32
      %dma_start3A_12 = arith.constant 0 : i32
      %dma_start3A_13 = tpu.memref_slice %arg3[%add3A, %dma_start3A_11, %dma_start3A_12] : memref<32x79x128xi32, #tpu.memory_space<hbm>> -> memref<1x79x128xi32, #tpu.memory_space<hbm>>
      %dma_start3A_14 = tpu.memref_squeeze %dma_start3A_13 : memref<1x79x128xi32, #tpu.memory_space<hbm>> -> memref<79x128xi32, #tpu.memory_space<hbm>>
      tpu.enqueue_dma source(%dma_start3A_14 : memref<79x128xi32, #tpu.memory_space<hbm>>) target(%arg7 : memref<79x128xi32, #tpu.memory_space<vmem>>) target_semaphore(%run_scoped3A : memref<!tpu.dma_semaphore, #tpu.memory_space<semaphore_mem>>)
      %dma_wait3A = arith.constant 0 : i32
      %dma_wait3A_15 = arith.constant 0 : i32
      %dma_wait3A_16 = tpu.memref_slice %arg3[%add3A, %dma_wait3A, %dma_wait3A_15] : memref<32x79x128xi32, #tpu.memory_space<hbm>> -> memref<1x79x128xi32, #tpu.memory_space<hbm>>
      %dma_wait3A_17 = tpu.memref_squeeze %dma_wait3A_16 : memref<1x79x128xi32, #tpu.memory_space<hbm>> -> memref<79x128xi32, #tpu.memory_space<hbm>>
      %dma_wait3A_18 = arith.constant 0 : i32
      %dma_wait3A_19 = arith.constant 0 : i32
      %dma_wait3A_20 = tpu.memref_slice %arg3[%add3A, %dma_wait3A_18, %dma_wait3A_19] : memref<32x79x128xi32, #tpu.memory_space<hbm>> -> memref<1x79x128xi32, #tpu.memory_space<hbm>>
      %dma_wait3A_21 = tpu.memref_squeeze %dma_wait3A_20 : memref<1x79x128xi32, #tpu.memory_space<hbm>> -> memref<79x128xi32, #tpu.memory_space<hbm>>
      tpu.wait_dma2 semaphore(%run_scoped3A : memref<!tpu.dma_semaphore, #tpu.memory_space<semaphore_mem>>) src(%dma_wait3A_21 : memref<79x128xi32, #tpu.memory_space<hbm>>) dst(%arg7 : memref<79x128xi32, #tpu.memory_space<vmem>>)
      tpu.yield
    }) : () -> ()
    "tpu.region"() ({
      %run_scoped3A = tpu.sem_alloc : memref<!tpu.dma_semaphore, #tpu.memory_space<semaphore_mem>>
      %dma_start3A = arith.constant 0 : i32
      %dma_start3A_8 = arith.constant 0 : i32
      %dma_start3A_9 = tpu.memref_slice %arg4[%add3A, %dma_start3A, %dma_start3A_8] : memref<32x79x128xi32, #tpu.memory_space<hbm>> -> memref<1x79x128xi32, #tpu.memory_space<hbm>>
      %dma_start3A_10 = tpu.memref_squeeze %dma_start3A_9 : memref<1x79x128xi32, #tpu.memory_space<hbm>> -> memref<79x128xi32, #tpu.memory_space<hbm>>
      %dma_start3A_11 = arith.constant 0 : i32
      %dma_start3A_12 = arith.constant 0 : i32
      %dma_start3A_13 = tpu.memref_slice %arg4[%add3A, %dma_start3A_11, %dma_start3A_12] : memref<32x79x128xi32, #tpu.memory_space<hbm>> -> memref<1x79x128xi32, #tpu.memory_space<hbm>>
      %dma_start3A_14 = tpu.memref_squeeze %dma_start3A_13 : memref<1x79x128xi32, #tpu.memory_space<hbm>> -> memref<79x128xi32, #tpu.memory_space<hbm>>
      tpu.enqueue_dma source(%dma_start3A_14 : memref<79x128xi32, #tpu.memory_space<hbm>>) target(%arg8 : memref<79x128xi32, #tpu.memory_space<vmem>>) target_semaphore(%run_scoped3A : memref<!tpu.dma_semaphore, #tpu.memory_space<semaphore_mem>>)
      %dma_wait3A = arith.constant 0 : i32
      %dma_wait3A_15 = arith.constant 0 : i32
      %dma_wait3A_16 = tpu.memref_slice %arg4[%add3A, %dma_wait3A, %dma_wait3A_15] : memref<32x79x128xi32, #tpu.memory_space<hbm>> -> memref<1x79x128xi32, #tpu.memory_space<hbm>>
      %dma_wait3A_17 = tpu.memref_squeeze %dma_wait3A_16 : memref<1x79x128xi32, #tpu.memory_space<hbm>> -> memref<79x128xi32, #tpu.memory_space<hbm>>
      %dma_wait3A_18 = arith.constant 0 : i32
      %dma_wait3A_19 = arith.constant 0 : i32
      %dma_wait3A_20 = tpu.memref_slice %arg4[%add3A, %dma_wait3A_18, %dma_wait3A_19] : memref<32x79x128xi32, #tpu.memory_space<hbm>> -> memref<1x79x128xi32, #tpu.memory_space<hbm>>
      %dma_wait3A_21 = tpu.memref_squeeze %dma_wait3A_20 : memref<1x79x128xi32, #tpu.memory_space<hbm>> -> memref<79x128xi32, #tpu.memory_space<hbm>>
      tpu.wait_dma2 semaphore(%run_scoped3A : memref<!tpu.dma_semaphore, #tpu.memory_space<semaphore_mem>>) src(%dma_wait3A_21 : memref<79x128xi32, #tpu.memory_space<hbm>>) dst(%arg8 : memref<79x128xi32, #tpu.memory_space<vmem>>)
      tpu.yield
    }) : () -> ()
    %barrier3A = arith.constant 0 : index
    tpu.barrier barrier_id(%barrier3A)
    %scan3A = arith.constant 0 : i32
    %scan3A_3 = arith.constant 79 : i32
    %scan3A_4 = arith.addi %scan3A, %scan3A_3 : i32
    %scan3A_5 = arith.constant 1 : i32
    scf.for %scan3A_8 = %scan3A to %scan3A_4 step %scan3A_5  : i32 {
      %mul3A_9 = arith.constant 1 : i32
      %mul3A_10 = arith.muli %scan3A_8, %mul3A_9 : i32
      %add3A_11 = arith.constant 0 : i32
      %add3A_12 = arith.addi %add3A_11, %mul3A_10 : i32
      %dma_start3A = arith.constant 0 : i32
      %dma_start3A_13 = tpu.memref_slice %arg7[%add3A_12, %dma_start3A] : memref<79x128xi32, #tpu.memory_space<vmem>> -> memref<1x128xi32, #tpu.memory_space<vmem>>
      %dma_start3A_14 = tpu.memref_squeeze %dma_start3A_13 : memref<1x128xi32, #tpu.memory_space<vmem>> -> memref<128xi32, #tpu.memory_space<vmem>>
      %dma_start3A_15 = arith.constant 0 : i32
      %dma_start3A_16 = arith.constant 0 : i32
      %dma_start3A_17 = tpu.memref_slice %arg2[%dma_start3A_15, %dma_start3A_16] : memref<10240x128xf32, #tpu.memory_space<hbm>> -> memref<10240x128xf32, #tpu.memory_space<hbm>>
      tpu.enqueue_indirect_dma source(%dma_start3A_17 : memref<10240x128xf32, #tpu.memory_space<hbm>>) target(%arg9 : memref<128x128xf32, #tpu.memory_space<vmem>>) offsets(%dma_start3A_14 : memref<128xi32, #tpu.memory_space<vmem>>) semaphore(%arg11 : memref<!tpu.dma_semaphore, #tpu.memory_space<semaphore_mem>>)
      %dma_wait3A = arith.constant 0 : i32
      %dma_wait3A_18 = tpu.memref_slice %arg7[%add3A_12, %dma_wait3A] : memref<79x128xi32, #tpu.memory_space<vmem>> -> memref<1x128xi32, #tpu.memory_space<vmem>>
      %dma_wait3A_19 = tpu.memref_squeeze %dma_wait3A_18 : memref<1x128xi32, #tpu.memory_space<vmem>> -> memref<128xi32, #tpu.memory_space<vmem>>
      %dma_wait3A_20 = arith.constant 0 : i32
      %dma_wait3A_21 = arith.constant 0 : i32
      %dma_wait3A_22 = tpu.memref_slice %arg2[%dma_wait3A_20, %dma_wait3A_21] : memref<10240x128xf32, #tpu.memory_space<hbm>> -> memref<10240x128xf32, #tpu.memory_space<hbm>>
      tpu.wait_indirect_dma semaphore(%arg11 : memref<!tpu.dma_semaphore, #tpu.memory_space<semaphore_mem>>) src(%dma_wait3A_22 : memref<10240x128xf32, #tpu.memory_space<hbm>>) dst(%arg9 : memref<128x128xf32, #tpu.memory_space<vmem>>)
      "tpu.region"() ({
        %run_scoped3A = tpu.sem_alloc : memref<!tpu.dma_semaphore, #tpu.memory_space<semaphore_mem>>
        %dma_start3A_23 = arith.constant 0 : i32
        %dma_start3A_24 = tpu.memref_slice %arg8[%add3A_12, %dma_start3A_23] : memref<79x128xi32, #tpu.memory_space<vmem>> -> memref<1x128xi32, #tpu.memory_space<vmem>>
        %dma_start3A_25 = tpu.memref_squeeze %dma_start3A_24 : memref<1x128xi32, #tpu.memory_space<vmem>> -> memref<128xi32, #tpu.memory_space<vmem>>
        %dma_start3A_26 = arith.constant 0 : i32
        %dma_start3A_27 = arith.constant 0 : i32
        %dma_start3A_28 = tpu.memref_slice %arg10[%dma_start3A_26, %dma_start3A_27] : memref<10240x128xf32, #tpu.memory_space<vmem_shared>> -> memref<10240x128xf32, #tpu.memory_space<vmem_shared>>
        tpu.enqueue_indirect_dma source(%arg9 : memref<128x128xf32, #tpu.memory_space<vmem>>) target(%dma_start3A_28 : memref<10240x128xf32, #tpu.memory_space<vmem_shared>>) offsets(%dma_start3A_25 : memref<128xi32, #tpu.memory_space<vmem>>) semaphore(%run_scoped3A : memref<!tpu.dma_semaphore, #tpu.memory_space<semaphore_mem>>) {add = true}
        %dma_wait3A_29 = arith.constant 0 : i32
        %dma_wait3A_30 = tpu.memref_slice %arg8[%add3A_12, %dma_wait3A_29] : memref<79x128xi32, #tpu.memory_space<vmem>> -> memref<1x128xi32, #tpu.memory_space<vmem>>
        %dma_wait3A_31 = tpu.memref_squeeze %dma_wait3A_30 : memref<1x128xi32, #tpu.memory_space<vmem>> -> memref<128xi32, #tpu.memory_space<vmem>>
        %dma_wait3A_32 = arith.constant 0 : i32
        %dma_wait3A_33 = arith.constant 0 : i32
        %dma_wait3A_34 = tpu.memref_slice %arg10[%dma_wait3A_32, %dma_wait3A_33] : memref<10240x128xf32, #tpu.memory_space<vmem_shared>> -> memref<10240x128xf32, #tpu.memory_space<vmem_shared>>
        tpu.wait_indirect_dma semaphore(%run_scoped3A : memref<!tpu.dma_semaphore, #tpu.memory_space<semaphore_mem>>) src(%arg9 : memref<128x128xf32, #tpu.memory_space<vmem>>) dst(%dma_wait3A_34 : memref<10240x128xf32, #tpu.memory_space<vmem_shared>>)
        tpu.yield
      }) : () -> ()
    }
    %scan3A_6 = arith.constant 79 : i32
    %barrier3A_7 = arith.constant 0 : index
    tpu.barrier barrier_id(%barrier3A_7)
    "tpu.region"() ({
      %run_scoped3A = tpu.sem_alloc : memref<!tpu.dma_semaphore, #tpu.memory_space<semaphore_mem>>
      %dma_start3A = arith.constant 0 : i32
      %dma_start3A_8 = tpu.memref_slice %arg6[%arg0, %mul3A_2, %dma_start3A] : memref<2x10240x128xf32, #tpu.memory_space<hbm>> -> memref<1x640x128xf32, #tpu.memory_space<hbm>>
      %dma_start3A_9 = tpu.memref_squeeze %dma_start3A_8 : memref<1x640x128xf32, #tpu.memory_space<hbm>> -> memref<640x128xf32, #tpu.memory_space<hbm>>
      %dma_start3A_10 = arith.constant 0 : i32
      %dma_start3A_11 = tpu.memref_slice %arg10[%mul3A_2, %dma_start3A_10] : memref<10240x128xf32, #tpu.memory_space<vmem_shared>> -> memref<640x128xf32, #tpu.memory_space<vmem_shared>>
      tpu.enqueue_dma source(%dma_start3A_11 : memref<640x128xf32, #tpu.memory_space<vmem_shared>>) target(%dma_start3A_9 : memref<640x128xf32, #tpu.memory_space<hbm>>) target_semaphore(%run_scoped3A : memref<!tpu.dma_semaphore, #tpu.memory_space<semaphore_mem>>)
      %dma_wait3A = arith.constant 0 : i32
      %dma_wait3A_12 = tpu.memref_slice %arg6[%arg0, %mul3A_2, %dma_wait3A] : memref<2x10240x128xf32, #tpu.memory_space<hbm>> -> memref<1x640x128xf32, #tpu.memory_space<hbm>>
      %dma_wait3A_13 = tpu.memref_squeeze %dma_wait3A_12 : memref<1x640x128xf32, #tpu.memory_space<hbm>> -> memref<640x128xf32, #tpu.memory_space<hbm>>
      %dma_wait3A_14 = arith.constant 0 : i32
      %dma_wait3A_15 = tpu.memref_slice %arg10[%mul3A_2, %dma_wait3A_14] : memref<10240x128xf32, #tpu.memory_space<vmem_shared>> -> memref<640x128xf32, #tpu.memory_space<vmem_shared>>
      tpu.wait_dma2 semaphore(%run_scoped3A : memref<!tpu.dma_semaphore, #tpu.memory_space<semaphore_mem>>) src(%dma_wait3A_15 : memref<640x128xf32, #tpu.memory_space<vmem_shared>>) dst(%dma_wait3A_13 : memref<640x128xf32, #tpu.memory_space<hbm>>)
      tpu.yield
    }) : () -> ()
    return
  }
}

#map = affine_map<(d0, d1) -> (0, 0)>
#map1 = affine_map<(d0, d1) -> (0, 0, 0)>
module attributes {stable_mosaic.version = 14 : i64} {
  func.func @body(%arg0: i32, %arg1: i32, %arg2: memref<10240x128xf32, #tpu.memory_space<hbm>>, %arg3: memref<32x79x128xi32, #tpu.memory_space<hbm>>, %arg4: memref<32x79x128xi32, #tpu.memory_space<hbm>>, %arg5: memref<10240x128xf32, #tpu.memory_space<hbm>>, %arg6: memref<2x10240x128xf32, #tpu.memory_space<hbm>>, %arg7: memref<79x128xi32, #tpu.memory_space<vmem>>, %arg8: memref<79x128xi32, #tpu.memory_space<vmem>>, %arg9: memref<128x128xf32, #tpu.memory_space<vmem>>, %arg10: memref<10240x128xf32, #tpu.memory_space<vmem_shared>>, %arg11: memref<!tpu.dma_semaphore, #tpu.memory_space<semaphore_mem>>) attributes {dimension_semantics = [#tpu.dimension_semantics<core_parallel>, #tpu.dimension_semantics<subcore_parallel>], iteration_bounds = array<i64: 2, 16>, scalar_prefetch = 0 : i64, scratch_operands = 5 : i64, tpu.core_type = #tpu.core_type<sc_vector_subcore>, window_params = [{transform_indices = #map}, {transform_indices = #map1}, {transform_indices = #map1}, {transform_indices = #map}, {transform_indices = #map1}]} {
    %mul3A = arith.constant 2 : i32
    %mul3A_0 = arith.muli %arg1, %mul3A : i32
    %add3A = arith.addi %mul3A_0, %arg0 : i32
    %mul3A_1 = arith.constant 640 : i32
    %mul3A_2 = arith.muli %arg1, %mul3A_1 : i32
    "tpu.region"() ({
      %run_scoped3A = tpu.sem_alloc : memref<!tpu.dma_semaphore, #tpu.memory_space<semaphore_mem>>
      %dma_start3A = arith.constant 0 : i32
      %dma_start3A_8 = tpu.memref_slice %arg10[%mul3A_2, %dma_start3A] : memref<10240x128xf32, #tpu.memory_space<vmem_shared>> -> memref<640x128xf32, #tpu.memory_space<vmem_shared>>
      %dma_start3A_9 = arith.constant 0 : i32
      %dma_start3A_10 = tpu.memref_slice %arg5[%mul3A_2, %dma_start3A_9] : memref<10240x128xf32, #tpu.memory_space<hbm>> -> memref<640x128xf32, #tpu.memory_space<hbm>>
      tpu.enqueue_dma source(%dma_start3A_10 : memref<640x128xf32, #tpu.memory_space<hbm>>) target(%dma_start3A_8 : memref<640x128xf32, #tpu.memory_space<vmem_shared>>) target_semaphore(%run_scoped3A : memref<!tpu.dma_semaphore, #tpu.memory_space<semaphore_mem>>)
      %dma_wait3A = arith.constant 0 : i32
      %dma_wait3A_11 = tpu.memref_slice %arg10[%mul3A_2, %dma_wait3A] : memref<10240x128xf32, #tpu.memory_space<vmem_shared>> -> memref<640x128xf32, #tpu.memory_space<vmem_shared>>
      %dma_wait3A_12 = arith.constant 0 : i32
      %dma_wait3A_13 = tpu.memref_slice %arg5[%mul3A_2, %dma_wait3A_12] : memref<10240x128xf32, #tpu.memory_space<hbm>> -> memref<640x128xf32, #tpu.memory_space<hbm>>
      tpu.wait_dma2 semaphore(%run_scoped3A : memref<!tpu.dma_semaphore, #tpu.memory_space<semaphore_mem>>) src(%dma_wait3A_13 : memref<640x128xf32, #tpu.memory_space<hbm>>) dst(%dma_wait3A_11 : memref<640x128xf32, #tpu.memory_space<vmem_shared>>)
      tpu.yield
    }) : () -> ()
    "tpu.region"() ({
      %run_scoped3A = tpu.sem_alloc : memref<!tpu.dma_semaphore, #tpu.memory_space<semaphore_mem>>
      %dma_start3A = arith.constant 0 : i32
      %dma_start3A_8 = arith.constant 0 : i32
      %dma_start3A_9 = tpu.memref_slice %arg3[%add3A, %dma_start3A, %dma_start3A_8] : memref<32x79x128xi32, #tpu.memory_space<hbm>> -> memref<1x79x128xi32, #tpu.memory_space<hbm>>
      %dma_start3A_10 = tpu.memref_squeeze %dma_start3A_9 : memref<1x79x128xi32, #tpu.memory_space<hbm>> -> memref<79x128xi32, #tpu.memory_space<hbm>>
      %dma_start3A_11 = arith.constant 0 : i32
      %dma_start3A_12 = arith.constant 0 : i32
      %dma_start3A_13 = tpu.memref_slice %arg3[%add3A, %dma_start3A_11, %dma_start3A_12] : memref<32x79x128xi32, #tpu.memory_space<hbm>> -> memref<1x79x128xi32, #tpu.memory_space<hbm>>
      %dma_start3A_14 = tpu.memref_squeeze %dma_start3A_13 : memref<1x79x128xi32, #tpu.memory_space<hbm>> -> memref<79x128xi32, #tpu.memory_space<hbm>>
      tpu.enqueue_dma source(%dma_start3A_14 : memref<79x128xi32, #tpu.memory_space<hbm>>) target(%arg7 : memref<79x128xi32, #tpu.memory_space<vmem>>) target_semaphore(%run_scoped3A : memref<!tpu.dma_semaphore, #tpu.memory_space<semaphore_mem>>)
      %dma_wait3A = arith.constant 0 : i32
      %dma_wait3A_15 = arith.constant 0 : i32
      %dma_wait3A_16 = tpu.memref_slice %arg3[%add3A, %dma_wait3A, %dma_wait3A_15] : memref<32x79x128xi32, #tpu.memory_space<hbm>> -> memref<1x79x128xi32, #tpu.memory_space<hbm>>
      %dma_wait3A_17 = tpu.memref_squeeze %dma_wait3A_16 : memref<1x79x128xi32, #tpu.memory_space<hbm>> -> memref<79x128xi32, #tpu.memory_space<hbm>>
      %dma_wait3A_18 = arith.constant 0 : i32
      %dma_wait3A_19 = arith.constant 0 : i32
      %dma_wait3A_20 = tpu.memref_slice %arg3[%add3A, %dma_wait3A_18, %dma_wait3A_19] : memref<32x79x128xi32, #tpu.memory_space<hbm>> -> memref<1x79x128xi32, #tpu.memory_space<hbm>>
      %dma_wait3A_21 = tpu.memref_squeeze %dma_wait3A_20 : memref<1x79x128xi32, #tpu.memory_space<hbm>> -> memref<79x128xi32, #tpu.memory_space<hbm>>
      tpu.wait_dma2 semaphore(%run_scoped3A : memref<!tpu.dma_semaphore, #tpu.memory_space<semaphore_mem>>) src(%dma_wait3A_21 : memref<79x128xi32, #tpu.memory_space<hbm>>) dst(%arg7 : memref<79x128xi32, #tpu.memory_space<vmem>>)
      tpu.yield
    }) : () -> ()
    "tpu.region"() ({
      %run_scoped3A = tpu.sem_alloc : memref<!tpu.dma_semaphore, #tpu.memory_space<semaphore_mem>>
      %dma_start3A = arith.constant 0 : i32
      %dma_start3A_8 = arith.constant 0 : i32
      %dma_start3A_9 = tpu.memref_slice %arg4[%add3A, %dma_start3A, %dma_start3A_8] : memref<32x79x128xi32, #tpu.memory_space<hbm>> -> memref<1x79x128xi32, #tpu.memory_space<hbm>>
      %dma_start3A_10 = tpu.memref_squeeze %dma_start3A_9 : memref<1x79x128xi32, #tpu.memory_space<hbm>> -> memref<79x128xi32, #tpu.memory_space<hbm>>
      %dma_start3A_11 = arith.constant 0 : i32
      %dma_start3A_12 = arith.constant 0 : i32
      %dma_start3A_13 = tpu.memref_slice %arg4[%add3A, %dma_start3A_11, %dma_start3A_12] : memref<32x79x128xi32, #tpu.memory_space<hbm>> -> memref<1x79x128xi32, #tpu.memory_space<hbm>>
      %dma_start3A_14 = tpu.memref_squeeze %dma_start3A_13 : memref<1x79x128xi32, #tpu.memory_space<hbm>> -> memref<79x128xi32, #tpu.memory_space<hbm>>
      tpu.enqueue_dma source(%dma_start3A_14 : memref<79x128xi32, #tpu.memory_space<hbm>>) target(%arg8 : memref<79x128xi32, #tpu.memory_space<vmem>>) target_semaphore(%run_scoped3A : memref<!tpu.dma_semaphore, #tpu.memory_space<semaphore_mem>>)
      %dma_wait3A = arith.constant 0 : i32
      %dma_wait3A_15 = arith.constant 0 : i32
      %dma_wait3A_16 = tpu.memref_slice %arg4[%add3A, %dma_wait3A, %dma_wait3A_15] : memref<32x79x128xi32, #tpu.memory_space<hbm>> -> memref<1x79x128xi32, #tpu.memory_space<hbm>>
      %dma_wait3A_17 = tpu.memref_squeeze %dma_wait3A_16 : memref<1x79x128xi32, #tpu.memory_space<hbm>> -> memref<79x128xi32, #tpu.memory_space<hbm>>
      %dma_wait3A_18 = arith.constant 0 : i32
      %dma_wait3A_19 = arith.constant 0 : i32
      %dma_wait3A_20 = tpu.memref_slice %arg4[%add3A, %dma_wait3A_18, %dma_wait3A_19] : memref<32x79x128xi32, #tpu.memory_space<hbm>> -> memref<1x79x128xi32, #tpu.memory_space<hbm>>
      %dma_wait3A_21 = tpu.memref_squeeze %dma_wait3A_20 : memref<1x79x128xi32, #tpu.memory_space<hbm>> -> memref<79x128xi32, #tpu.memory_space<hbm>>
      tpu.wait_dma2 semaphore(%run_scoped3A : memref<!tpu.dma_semaphore, #tpu.memory_space<semaphore_mem>>) src(%dma_wait3A_21 : memref<79x128xi32, #tpu.memory_space<hbm>>) dst(%arg8 : memref<79x128xi32, #tpu.memory_space<vmem>>)
      tpu.yield
    }) : () -> ()
    %barrier3A = arith.constant 0 : index
    tpu.barrier barrier_id(%barrier3A)
    %scan3A = arith.constant 0 : i32
    %scan3A_3 = arith.constant 79 : i32
    %scan3A_4 = arith.addi %scan3A, %scan3A_3 : i32
    %scan3A_5 = arith.constant 1 : i32
    scf.for %scan3A_8 = %scan3A to %scan3A_4 step %scan3A_5  : i32 {
      %mul3A_9 = arith.constant 1 : i32
      %mul3A_10 = arith.muli %scan3A_8, %mul3A_9 : i32
      %add3A_11 = arith.constant 0 : i32
      %add3A_12 = arith.addi %add3A_11, %mul3A_10 : i32
      %dma_start3A = arith.constant 0 : i32
      %dma_start3A_13 = tpu.memref_slice %arg7[%add3A_12, %dma_start3A] : memref<79x128xi32, #tpu.memory_space<vmem>> -> memref<1x128xi32, #tpu.memory_space<vmem>>
      %dma_start3A_14 = tpu.memref_squeeze %dma_start3A_13 : memref<1x128xi32, #tpu.memory_space<vmem>> -> memref<128xi32, #tpu.memory_space<vmem>>
      %dma_start3A_15 = arith.constant 0 : i32
      %dma_start3A_16 = arith.constant 0 : i32
      %dma_start3A_17 = tpu.memref_slice %arg2[%dma_start3A_15, %dma_start3A_16] : memref<10240x128xf32, #tpu.memory_space<hbm>> -> memref<10240x128xf32, #tpu.memory_space<hbm>>
      tpu.enqueue_indirect_dma source(%dma_start3A_17 : memref<10240x128xf32, #tpu.memory_space<hbm>>) target(%arg9 : memref<128x128xf32, #tpu.memory_space<vmem>>) offsets(%dma_start3A_14 : memref<128xi32, #tpu.memory_space<vmem>>) semaphore(%arg11 : memref<!tpu.dma_semaphore, #tpu.memory_space<semaphore_mem>>)
      %dma_wait3A = arith.constant 0 : i32
      %dma_wait3A_18 = tpu.memref_slice %arg7[%add3A_12, %dma_wait3A] : memref<79x128xi32, #tpu.memory_space<vmem>> -> memref<1x128xi32, #tpu.memory_space<vmem>>
      %dma_wait3A_19 = tpu.memref_squeeze %dma_wait3A_18 : memref<1x128xi32, #tpu.memory_space<vmem>> -> memref<128xi32, #tpu.memory_space<vmem>>
      %dma_wait3A_20 = arith.constant 0 : i32
      %dma_wait3A_21 = arith.constant 0 : i32
      %dma_wait3A_22 = tpu.memref_slice %arg2[%dma_wait3A_20, %dma_wait3A_21] : memref<10240x128xf32, #tpu.memory_space<hbm>> -> memref<10240x128xf32, #tpu.memory_space<hbm>>
      tpu.wait_indirect_dma semaphore(%arg11 : memref<!tpu.dma_semaphore, #tpu.memory_space<semaphore_mem>>) src(%dma_wait3A_22 : memref<10240x128xf32, #tpu.memory_space<hbm>>) dst(%arg9 : memref<128x128xf32, #tpu.memory_space<vmem>>)
      "tpu.region"() ({
        %run_scoped3A = tpu.sem_alloc : memref<!tpu.dma_semaphore, #tpu.memory_space<semaphore_mem>>
        %dma_start3A_23 = arith.constant 0 : i32
        %dma_start3A_24 = tpu.memref_slice %arg8[%add3A_12, %dma_start3A_23] : memref<79x128xi32, #tpu.memory_space<vmem>> -> memref<1x128xi32, #tpu.memory_space<vmem>>
        %dma_start3A_25 = tpu.memref_squeeze %dma_start3A_24 : memref<1x128xi32, #tpu.memory_space<vmem>> -> memref<128xi32, #tpu.memory_space<vmem>>
        %dma_start3A_26 = arith.constant 0 : i32
        %dma_start3A_27 = arith.constant 0 : i32
        %dma_start3A_28 = tpu.memref_slice %arg10[%dma_start3A_26, %dma_start3A_27] : memref<10240x128xf32, #tpu.memory_space<vmem_shared>> -> memref<10240x128xf32, #tpu.memory_space<vmem_shared>>
        tpu.enqueue_indirect_dma source(%arg9 : memref<128x128xf32, #tpu.memory_space<vmem>>) target(%dma_start3A_28 : memref<10240x128xf32, #tpu.memory_space<vmem_shared>>) offsets(%dma_start3A_25 : memref<128xi32, #tpu.memory_space<vmem>>) semaphore(%run_scoped3A : memref<!tpu.dma_semaphore, #tpu.memory_space<semaphore_mem>>) {add = true}
        %dma_wait3A_29 = arith.constant 0 : i32
        %dma_wait3A_30 = tpu.memref_slice %arg8[%add3A_12, %dma_wait3A_29] : memref<79x128xi32, #tpu.memory_space<vmem>> -> memref<1x128xi32, #tpu.memory_space<vmem>>
        %dma_wait3A_31 = tpu.memref_squeeze %dma_wait3A_30 : memref<1x128xi32, #tpu.memory_space<vmem>> -> memref<128xi32, #tpu.memory_space<vmem>>
        %dma_wait3A_32 = arith.constant 0 : i32
        %dma_wait3A_33 = arith.constant 0 : i32
        %dma_wait3A_34 = tpu.memref_slice %arg10[%dma_wait3A_32, %dma_wait3A_33] : memref<10240x128xf32, #tpu.memory_space<vmem_shared>> -> memref<10240x128xf32, #tpu.memory_space<vmem_shared>>
        tpu.wait_indirect_dma semaphore(%run_scoped3A : memref<!tpu.dma_semaphore, #tpu.memory_space<semaphore_mem>>) src(%arg9 : memref<128x128xf32, #tpu.memory_space<vmem>>) dst(%dma_wait3A_34 : memref<10240x128xf32, #tpu.memory_space<vmem_shared>>)
        tpu.yield
      }) : () -> ()
    }
    %scan3A_6 = arith.constant 79 : i32
    %barrier3A_7 = arith.constant 0 : index
    tpu.barrier barrier_id(%barrier3A_7)
    "tpu.region"() ({
      %run_scoped3A = tpu.sem_alloc : memref<!tpu.dma_semaphore, #tpu.memory_space<semaphore_mem>>
      %dma_start3A = arith.constant 0 : i32
      %dma_start3A_8 = tpu.memref_slice %arg6[%arg0, %mul3A_2, %dma_start3A] : memref<2x10240x128xf32, #tpu.memory_space<hbm>> -> memref<1x640x128xf32, #tpu.memory_space<hbm>>
      %dma_start3A_9 = tpu.memref_squeeze %dma_start3A_8 : memref<1x640x128xf32, #tpu.memory_space<hbm>> -> memref<640x128xf32, #tpu.memory_space<hbm>>
      %dma_start3A_10 = arith.constant 0 : i32
      %dma_start3A_11 = tpu.memref_slice %arg10[%mul3A_2, %dma_start3A_10] : memref<10240x128xf32, #tpu.memory_space<vmem_shared>> -> memref<640x128xf32, #tpu.memory_space<vmem_shared>>
      tpu.enqueue_dma source(%dma_start3A_11 : memref<640x128xf32, #tpu.memory_space<vmem_shared>>) target(%dma_start3A_9 : memref<640x128xf32, #tpu.memory_space<hbm>>) target_semaphore(%run_scoped3A : memref<!tpu.dma_semaphore, #tpu.memory_space<semaphore_mem>>)
      %dma_wait3A = arith.constant 0 : i32
      %dma_wait3A_12 = tpu.memref_slice %arg6[%arg0, %mul3A_2, %dma_wait3A] : memref<2x10240x128xf32, #tpu.memory_space<hbm>> -> memref<1x640x128xf32, #tpu.memory_space<hbm>>
      %dma_wait3A_13 = tpu.memref_squeeze %dma_wait3A_12 : memref<1x640x128xf32, #tpu.memory_space<hbm>> -> memref<640x128xf32, #tpu.memory_space<hbm>>
      %dma_wait3A_14 = arith.constant 0 : i32
      %dma_wait3A_15 = tpu.memref_slice %arg10[%mul3A_2, %dma_wait3A_14] : memref<10240x128xf32, #tpu.memory_space<vmem_shared>> -> memref<640x128xf32, #tpu.memory_space<vmem_shared>>
      tpu.wait_dma2 semaphore(%run_scoped3A : memref<!tpu.dma_semaphore, #tpu.memory_space<semaphore_mem>>) src(%dma_wait3A_15 : memref<640x128xf32, #tpu.memory_space<vmem_shared>>) dst(%dma_wait3A_13 : memref<640x128xf32, #tpu.memory_space<hbm>>)
      tpu.yield
    }) : () -> ()
    return
  }
}

module attributes {stable_mosaic.version = 14 : i64} {
  func.func @_layer1_body(%arg0: i32, %arg1: memref<2x512x128xf32, #tpu.memory_space<vmem>>, %arg2: memref<2x512x128xf32, #tpu.memory_space<vmem>>, %arg3: memref<512x128xf32, #tpu.memory_space<vmem>>, %arg4: memref<128x128xf32, #tpu.memory_space<vmem>>, %arg5: memref<1x128xf32, #tpu.memory_space<vmem>>, %arg6: memref<128x128xf32, #tpu.memory_space<vmem>>, %arg7: memref<512x128xf32, #tpu.memory_space<vmem>>, %arg8: memref<512x16xf32, #tpu.memory_space<vmem>>) attributes {dimension_semantics = [#tpu.dimension_semantics<arbitrary>], iteration_bounds = array<i64: 20>, scalar_prefetch = 0 : i64, scratch_operands = 0 : i64, tpu.core_type = #tpu.core_type<tc>, window_params = [{transform_indices = @transform_0, window_bounds = array<i64: 2, 512, 128>}, {transform_indices = @transform_1, window_bounds = array<i64: 2, 512, 128>}, {transform_indices = @transform_2, window_bounds = array<i64: 512, 128>}, {pipeline_mode = #tpu.pipeline_mode<synchronous>, transform_indices = @transform_3, window_bounds = array<i64: 128, 128>}, {pipeline_mode = #tpu.pipeline_mode<synchronous>, transform_indices = @transform_4, window_bounds = array<i64: 1, 128>}, {pipeline_mode = #tpu.pipeline_mode<synchronous>, transform_indices = @transform_5, window_bounds = array<i64: 128, 128>}, {transform_indices = @transform_6, window_bounds = array<i64: 512, 128>}, {transform_indices = @transform_7, window_bounds = array<i64: 512, 16>}]} {
    %get3A = arith.constant 0 : index
    %get3A_0 = arith.constant 0 : index
    %get3A_1 = arith.constant 0 : index
    %get3A_2 = vector.load %arg1[%get3A, %get3A_0, %get3A_1] : memref<2x512x128xf32, #tpu.memory_space<vmem>>, vector<2x512x128xf32>
    %reduce_sum3A = arith.constant dense<0.000000e+00> : vector<512x128xf32>
    %reduce_sum3A_3 = vector.multi_reduction <add>, %get3A_2, %reduce_sum3A [0] : vector<2x512x128xf32> to vector<512x128xf32>
    %get3A_4 = arith.constant 0 : index
    %get3A_5 = arith.constant 0 : index
    %get3A_6 = arith.constant 0 : index
    %get3A_7 = vector.load %arg2[%get3A_4, %get3A_5, %get3A_6] : memref<2x512x128xf32, #tpu.memory_space<vmem>>, vector<1x512x1xf32>
    %get3A_8 = vector.shape_cast %get3A_7 : vector<1x512x1xf32> to vector<512xf32>
    %get3A_9 = arith.constant 1 : index
    %get3A_10 = arith.constant 0 : index
    %get3A_11 = arith.constant 0 : index
    %get3A_12 = vector.load %arg2[%get3A_9, %get3A_10, %get3A_11] : memref<2x512x128xf32, #tpu.memory_space<vmem>>, vector<1x512x1xf32>
    %get3A_13 = vector.shape_cast %get3A_12 : vector<1x512x1xf32> to vector<512xf32>
    %add3A = arith.addf %get3A_8, %get3A_13 : vector<512xf32>
    %broadcast_in_dim3A = vector.shape_cast %add3A : vector<512xf32> to vector<512x1xf32>
    %broadcast_in_dim3A_14 = vector.shape_cast %broadcast_in_dim3A : vector<512x1xf32> to vector<512x1xf32>
    %broadcast_in_dim3A_15 = vector.broadcast %broadcast_in_dim3A_14 : vector<512x1xf32> to vector<512x16xf32>
    %swap3A = arith.constant 0 : index
    %swap3A_16 = arith.constant 0 : index
    %swap3A_17 = vector.load %arg8[%swap3A, %swap3A_16] : memref<512x16xf32, #tpu.memory_space<vmem>>, vector<512x16xf32>
    tpu.vector_store %arg8[%swap3A, %swap3A_16], %broadcast_in_dim3A_15 {strides = array<i32>} : memref<512x16xf32, #tpu.memory_space<vmem>>, vector<512x16xf32>,
    %max3A = arith.constant 1.000000e+00 : f32
    %max3A_18 = vector.broadcast %max3A : f32 to vector<512xf32>
    %max3A_19 = arith.maximumf %add3A, %max3A_18 : vector<512xf32>
    %broadcast_in_dim3A_20 = vector.shape_cast %max3A_19 : vector<512xf32> to vector<512x1xf32>
    %div3A = vector.broadcast %broadcast_in_dim3A_20 : vector<512x1xf32> to vector<512x128xf32>
    %div3A_21 = arith.divf %reduce_sum3A_3, %div3A : vector<512x128xf32>
    %get3A_22 = arith.constant 0 : index
    %get3A_23 = arith.constant 0 : index
    %get3A_24 = vector.load %arg4[%get3A_22, %get3A_23] : memref<128x128xf32, #tpu.memory_space<vmem>>, vector<128x128xf32>
    %dot_general3A = arith.constant dense<0.000000e+00> : vector<512x128xf32>
    %dot_general3A_25 = tpu.matmul %div3A_21, %get3A_24, %dot_general3A {dimension_numbers = #tpu.dot_dimension_numbers<[1], [0], [0], [1], [0, 0, 1, 1], [], []>, transpose_lhs_hint = false} : vector<512x128xf32>, vector<128x128xf32>, vector<512x128xf32> -> vector<512x128xf32>
    %get3A_26 = arith.constant 0 : index
    %get3A_27 = arith.constant 0 : index
    %get3A_28 = vector.load %arg5[%get3A_26, %get3A_27] : memref<1x128xf32, #tpu.memory_space<vmem>>, vector<1x128xf32>
    %add3A_29 = vector.broadcast %get3A_28 : vector<1x128xf32> to vector<512x128xf32>
    %add3A_30 = arith.addf %dot_general3A_25, %add3A_29 : vector<512x128xf32>
    %get3A_31 = arith.constant 0 : index
    %get3A_32 = arith.constant 0 : index
    %get3A_33 = vector.load %arg3[%get3A_31, %get3A_32] : memref<512x128xf32, #tpu.memory_space<vmem>>, vector<512x128xf32>
    %get3A_34 = arith.constant 0 : index
    %get3A_35 = arith.constant 0 : index
    %get3A_36 = vector.load %arg6[%get3A_34, %get3A_35] : memref<128x128xf32, #tpu.memory_space<vmem>>, vector<128x128xf32>
    %dot_general3A_37 = arith.constant dense<0.000000e+00> : vector<512x128xf32>
    %dot_general3A_38 = tpu.matmul %get3A_33, %get3A_36, %dot_general3A_37 {dimension_numbers = #tpu.dot_dimension_numbers<[1], [0], [0], [1], [0, 0, 1, 1], [], []>, transpose_lhs_hint = false} : vector<512x128xf32>, vector<128x128xf32>, vector<512x128xf32> -> vector<512x128xf32>
    %add3A_39 = arith.addf %add3A_30, %dot_general3A_38 : vector<512x128xf32>
    %max3A_40 = arith.constant 0.000000e+00 : f32
    %max3A_41 = vector.broadcast %max3A_40 : f32 to vector<512x128xf32>
    %max3A_42 = arith.maximumf %add3A_39, %max3A_41 : vector<512x128xf32>
    %swap3A_43 = arith.constant 0 : index
    %swap3A_44 = arith.constant 0 : index
    %swap3A_45 = vector.load %arg7[%swap3A_43, %swap3A_44] : memref<512x128xf32, #tpu.memory_space<vmem>>, vector<512x128xf32>
    tpu.vector_store %arg7[%swap3A_43, %swap3A_44], %max3A_42 {strides = array<i32>} : memref<512x128xf32, #tpu.memory_space<vmem>>, vector<512x128xf32>,
    return
  }
  func.func @transform_0(%arg0: i32) -> (i32, i32, i32) {
    %c0_i32 = arith.constant 0 : i32
    %c0_i32_0 = arith.constant 0 : i32
    %c0_i32_1 = arith.constant 0 : i32
    return %c0_i32, %arg0, %c0_i32_0 : i32, i32, i32
  }
  func.func @transform_1(%arg0: i32) -> (i32, i32, i32) {
    %c0_i32 = arith.constant 0 : i32
    %c0_i32_0 = arith.constant 0 : i32
    %c0_i32_1 = arith.constant 0 : i32
    return %c0_i32, %arg0, %c0_i32_0 : i32, i32, i32
  }
  func.func @transform_2(%arg0: i32) -> (i32, i32) {
    %c0_i32 = arith.constant 0 : i32
    %c0_i32_0 = arith.constant 0 : i32
    return %arg0, %c0_i32 : i32, i32
  }
  func.func @transform_3(%arg0: i32) -> (i32, i32) {
    %c0_i32 = arith.constant 0 : i32
    %c0_i32_0 = arith.constant 0 : i32
    %c0_i32_1 = arith.constant 0 : i32
    return %c0_i32, %c0_i32_0 : i32, i32
  }
  func.func @transform_4(%arg0: i32) -> (i32, i32) {
    %c0_i32 = arith.constant 0 : i32
    %c0_i32_0 = arith.constant 0 : i32
    %c0_i32_1 = arith.constant 0 : i32
    return %c0_i32, %c0_i32_0 : i32, i32
  }
  func.func @transform_5(%arg0: i32) -> (i32, i32) {
    %c0_i32 = arith.constant 0 : i32
    %c0_i32_0 = arith.constant 0 : i32
    %c0_i32_1 = arith.constant 0 : i32
    return %c0_i32, %c0_i32_0 : i32, i32
  }
  func.func @transform_6(%arg0: i32) -> (i32, i32) {
    %c0_i32 = arith.constant 0 : i32
    %c0_i32_0 = arith.constant 0 : i32
    return %arg0, %c0_i32 : i32, i32
  }
  func.func @transform_7(%arg0: i32) -> (i32, i32) {
    %c0_i32 = arith.constant 0 : i32
    %c0_i32_0 = arith.constant 0 : i32
    return %arg0, %c0_i32 : i32, i32
  }
}

module attributes {stable_mosaic.version = 14 : i64} {
  func.func @_layer_body(%arg0: i32, %arg1: memref<2x512x128xf32, #tpu.memory_space<vmem>>, %arg2: memref<2x512x16xf32, #tpu.memory_space<vmem>>, %arg3: memref<512x128xf32, #tpu.memory_space<vmem>>, %arg4: memref<128x128xf32, #tpu.memory_space<vmem>>, %arg5: memref<1x128xf32, #tpu.memory_space<vmem>>, %arg6: memref<128x128xf32, #tpu.memory_space<vmem>>, %arg7: memref<512x128xf32, #tpu.memory_space<vmem>>) attributes {dimension_semantics = [#tpu.dimension_semantics<arbitrary>], iteration_bounds = array<i64: 20>, scalar_prefetch = 0 : i64, scratch_operands = 0 : i64, tpu.core_type = #tpu.core_type<tc>, window_params = [{transform_indices = @transform_0, window_bounds = array<i64: 2, 512, 128>}, {transform_indices = @transform_1, window_bounds = array<i64: 2, 512, 16>}, {transform_indices = @transform_2, window_bounds = array<i64: 512, 128>}, {pipeline_mode = #tpu.pipeline_mode<synchronous>, transform_indices = @transform_3, window_bounds = array<i64: 128, 128>}, {pipeline_mode = #tpu.pipeline_mode<synchronous>, transform_indices = @transform_4, window_bounds = array<i64: 1, 128>}, {pipeline_mode = #tpu.pipeline_mode<synchronous>, transform_indices = @transform_5, window_bounds = array<i64: 128, 128>}, {transform_indices = @transform_6, window_bounds = array<i64: 512, 128>}]} {
    %get3A = arith.constant 0 : index
    %get3A_0 = arith.constant 0 : index
    %get3A_1 = arith.constant 0 : index
    %get3A_2 = vector.load %arg1[%get3A, %get3A_0, %get3A_1] : memref<2x512x128xf32, #tpu.memory_space<vmem>>, vector<2x512x128xf32>
    %reduce_sum3A = arith.constant dense<0.000000e+00> : vector<512x128xf32>
    %reduce_sum3A_3 = vector.multi_reduction <add>, %get3A_2, %reduce_sum3A [0] : vector<2x512x128xf32> to vector<512x128xf32>
    %get3A_4 = arith.constant 0 : index
    %get3A_5 = arith.constant 0 : index
    %get3A_6 = arith.constant 0 : index
    %get3A_7 = vector.load %arg2[%get3A_4, %get3A_5, %get3A_6] : memref<2x512x16xf32, #tpu.memory_space<vmem>>, vector<2x512x16xf32>
    %reduce_sum3A_8 = arith.constant dense<0.000000e+00> : vector<512x16xf32>
    %reduce_sum3A_9 = vector.multi_reduction <add>, %get3A_7, %reduce_sum3A_8 [0] : vector<2x512x16xf32> to vector<512x16xf32>
    %slice3A = vector.extract_strided_slice %reduce_sum3A_9 {offsets = [0, 0], sizes = [512, 1], strides = [1, 1]} : vector<512x16xf32> to vector<512x1xf32>
    %squeeze3A = vector.shape_cast %slice3A : vector<512x1xf32> to vector<512xf32>
    %max3A = arith.constant 1.000000e+00 : f32
    %max3A_10 = vector.broadcast %max3A : f32 to vector<512xf32>
    %max3A_11 = arith.maximumf %squeeze3A, %max3A_10 : vector<512xf32>
    %broadcast_in_dim3A = vector.shape_cast %max3A_11 : vector<512xf32> to vector<512x1xf32>
    %div3A = vector.broadcast %broadcast_in_dim3A : vector<512x1xf32> to vector<512x128xf32>
    %div3A_12 = arith.divf %reduce_sum3A_3, %div3A : vector<512x128xf32>
    %get3A_13 = arith.constant 0 : index
    %get3A_14 = arith.constant 0 : index
    %get3A_15 = vector.load %arg4[%get3A_13, %get3A_14] : memref<128x128xf32, #tpu.memory_space<vmem>>, vector<128x128xf32>
    %dot_general3A = arith.constant dense<0.000000e+00> : vector<512x128xf32>
    %dot_general3A_16 = tpu.matmul %div3A_12, %get3A_15, %dot_general3A {dimension_numbers = #tpu.dot_dimension_numbers<[1], [0], [0], [1], [0, 0, 1, 1], [], []>, transpose_lhs_hint = false} : vector<512x128xf32>, vector<128x128xf32>, vector<512x128xf32> -> vector<512x128xf32>
    %get3A_17 = arith.constant 0 : index
    %get3A_18 = arith.constant 0 : index
    %get3A_19 = vector.load %arg5[%get3A_17, %get3A_18] : memref<1x128xf32, #tpu.memory_space<vmem>>, vector<1x128xf32>
    %add3A = vector.broadcast %get3A_19 : vector<1x128xf32> to vector<512x128xf32>
    %add3A_20 = arith.addf %dot_general3A_16, %add3A : vector<512x128xf32>
    %get3A_21 = arith.constant 0 : index
    %get3A_22 = arith.constant 0 : index
    %get3A_23 = vector.load %arg3[%get3A_21, %get3A_22] : memref<512x128xf32, #tpu.memory_space<vmem>>, vector<512x128xf32>
    %get3A_24 = arith.constant 0 : index
    %get3A_25 = arith.constant 0 : index
    %get3A_26 = vector.load %arg6[%get3A_24, %get3A_25] : memref<128x128xf32, #tpu.memory_space<vmem>>, vector<128x128xf32>
    %dot_general3A_27 = arith.constant dense<0.000000e+00> : vector<512x128xf32>
    %dot_general3A_28 = tpu.matmul %get3A_23, %get3A_26, %dot_general3A_27 {dimension_numbers = #tpu.dot_dimension_numbers<[1], [0], [0], [1], [0, 0, 1, 1], [], []>, transpose_lhs_hint = false} : vector<512x128xf32>, vector<128x128xf32>, vector<512x128xf32> -> vector<512x128xf32>
    %add3A_29 = arith.addf %add3A_20, %dot_general3A_28 : vector<512x128xf32>
    %max3A_30 = arith.constant 0.000000e+00 : f32
    %max3A_31 = vector.broadcast %max3A_30 : f32 to vector<512x128xf32>
    %max3A_32 = arith.maximumf %add3A_29, %max3A_31 : vector<512x128xf32>
    %swap3A = arith.constant 0 : index
    %swap3A_33 = arith.constant 0 : index
    %swap3A_34 = vector.load %arg7[%swap3A, %swap3A_33] : memref<512x128xf32, #tpu.memory_space<vmem>>, vector<512x128xf32>
    tpu.vector_store %arg7[%swap3A, %swap3A_33], %max3A_32 {strides = array<i32>} : memref<512x128xf32, #tpu.memory_space<vmem>>, vector<512x128xf32>,
    return
  }
  func.func @transform_0(%arg0: i32) -> (i32, i32, i32) {
    %c0_i32 = arith.constant 0 : i32
    %c0_i32_0 = arith.constant 0 : i32
    %c0_i32_1 = arith.constant 0 : i32
    return %c0_i32, %arg0, %c0_i32_0 : i32, i32, i32
  }
  func.func @transform_1(%arg0: i32) -> (i32, i32, i32) {
    %c0_i32 = arith.constant 0 : i32
    %c0_i32_0 = arith.constant 0 : i32
    %c0_i32_1 = arith.constant 0 : i32
    return %c0_i32, %arg0, %c0_i32_0 : i32, i32, i32
  }
  func.func @transform_2(%arg0: i32) -> (i32, i32) {
    %c0_i32 = arith.constant 0 : i32
    %c0_i32_0 = arith.constant 0 : i32
    return %arg0, %c0_i32 : i32, i32
  }
  func.func @transform_3(%arg0: i32) -> (i32, i32) {
    %c0_i32 = arith.constant 0 : i32
    %c0_i32_0 = arith.constant 0 : i32
    %c0_i32_1 = arith.constant 0 : i32
    return %c0_i32, %c0_i32_0 : i32, i32
  }
  func.func @transform_4(%arg0: i32) -> (i32, i32) {
    %c0_i32 = arith.constant 0 : i32
    %c0_i32_0 = arith.constant 0 : i32
    %c0_i32_1 = arith.constant 0 : i32
    return %c0_i32, %c0_i32_0 : i32, i32
  }
  func.func @transform_5(%arg0: i32) -> (i32, i32) {
    %c0_i32 = arith.constant 0 : i32
    %c0_i32_0 = arith.constant 0 : i32
    %c0_i32_1 = arith.constant 0 : i32
    return %c0_i32, %c0_i32_0 : i32, i32
  }
  func.func @transform_6(%arg0: i32) -> (i32, i32) {
    %c0_i32 = arith.constant 0 : i32
    %c0_i32_0 = arith.constant 0 : i32
    return %arg0, %c0_i32 : i32, i32
  }
}

module attributes {stable_mosaic.version = 14 : i64} {
  func.func @_layer_body(%arg0: i32, %arg1: memref<2x512x128xf32, #tpu.memory_space<vmem>>, %arg2: memref<2x512x16xf32, #tpu.memory_space<vmem>>, %arg3: memref<512x128xf32, #tpu.memory_space<vmem>>, %arg4: memref<128x128xf32, #tpu.memory_space<vmem>>, %arg5: memref<1x128xf32, #tpu.memory_space<vmem>>, %arg6: memref<128x128xf32, #tpu.memory_space<vmem>>, %arg7: memref<512x128xf32, #tpu.memory_space<vmem>>) attributes {dimension_semantics = [#tpu.dimension_semantics<arbitrary>], iteration_bounds = array<i64: 20>, scalar_prefetch = 0 : i64, scratch_operands = 0 : i64, tpu.core_type = #tpu.core_type<tc>, window_params = [{transform_indices = @transform_0, window_bounds = array<i64: 2, 512, 128>}, {transform_indices = @transform_1, window_bounds = array<i64: 2, 512, 16>}, {transform_indices = @transform_2, window_bounds = array<i64: 512, 128>}, {pipeline_mode = #tpu.pipeline_mode<synchronous>, transform_indices = @transform_3, window_bounds = array<i64: 128, 128>}, {pipeline_mode = #tpu.pipeline_mode<synchronous>, transform_indices = @transform_4, window_bounds = array<i64: 1, 128>}, {pipeline_mode = #tpu.pipeline_mode<synchronous>, transform_indices = @transform_5, window_bounds = array<i64: 128, 128>}, {transform_indices = @transform_6, window_bounds = array<i64: 512, 128>}]} {
    %get3A = arith.constant 0 : index
    %get3A_0 = arith.constant 0 : index
    %get3A_1 = arith.constant 0 : index
    %get3A_2 = vector.load %arg1[%get3A, %get3A_0, %get3A_1] : memref<2x512x128xf32, #tpu.memory_space<vmem>>, vector<2x512x128xf32>
    %reduce_sum3A = arith.constant dense<0.000000e+00> : vector<512x128xf32>
    %reduce_sum3A_3 = vector.multi_reduction <add>, %get3A_2, %reduce_sum3A [0] : vector<2x512x128xf32> to vector<512x128xf32>
    %get3A_4 = arith.constant 0 : index
    %get3A_5 = arith.constant 0 : index
    %get3A_6 = arith.constant 0 : index
    %get3A_7 = vector.load %arg2[%get3A_4, %get3A_5, %get3A_6] : memref<2x512x16xf32, #tpu.memory_space<vmem>>, vector<2x512x16xf32>
    %reduce_sum3A_8 = arith.constant dense<0.000000e+00> : vector<512x16xf32>
    %reduce_sum3A_9 = vector.multi_reduction <add>, %get3A_7, %reduce_sum3A_8 [0] : vector<2x512x16xf32> to vector<512x16xf32>
    %slice3A = vector.extract_strided_slice %reduce_sum3A_9 {offsets = [0, 0], sizes = [512, 1], strides = [1, 1]} : vector<512x16xf32> to vector<512x1xf32>
    %squeeze3A = vector.shape_cast %slice3A : vector<512x1xf32> to vector<512xf32>
    %max3A = arith.constant 1.000000e+00 : f32
    %max3A_10 = vector.broadcast %max3A : f32 to vector<512xf32>
    %max3A_11 = arith.maximumf %squeeze3A, %max3A_10 : vector<512xf32>
    %broadcast_in_dim3A = vector.shape_cast %max3A_11 : vector<512xf32> to vector<512x1xf32>
    %div3A = vector.broadcast %broadcast_in_dim3A : vector<512x1xf32> to vector<512x128xf32>
    %div3A_12 = arith.divf %reduce_sum3A_3, %div3A : vector<512x128xf32>
    %get3A_13 = arith.constant 0 : index
    %get3A_14 = arith.constant 0 : index
    %get3A_15 = vector.load %arg4[%get3A_13, %get3A_14] : memref<128x128xf32, #tpu.memory_space<vmem>>, vector<128x128xf32>
    %dot_general3A = arith.constant dense<0.000000e+00> : vector<512x128xf32>
    %dot_general3A_16 = tpu.matmul %div3A_12, %get3A_15, %dot_general3A {dimension_numbers = #tpu.dot_dimension_numbers<[1], [0], [0], [1], [0, 0, 1, 1], [], []>, transpose_lhs_hint = false} : vector<512x128xf32>, vector<128x128xf32>, vector<512x128xf32> -> vector<512x128xf32>
    %get3A_17 = arith.constant 0 : index
    %get3A_18 = arith.constant 0 : index
    %get3A_19 = vector.load %arg5[%get3A_17, %get3A_18] : memref<1x128xf32, #tpu.memory_space<vmem>>, vector<1x128xf32>
    %add3A = vector.broadcast %get3A_19 : vector<1x128xf32> to vector<512x128xf32>
    %add3A_20 = arith.addf %dot_general3A_16, %add3A : vector<512x128xf32>
    %get3A_21 = arith.constant 0 : index
    %get3A_22 = arith.constant 0 : index
    %get3A_23 = vector.load %arg3[%get3A_21, %get3A_22] : memref<512x128xf32, #tpu.memory_space<vmem>>, vector<512x128xf32>
    %get3A_24 = arith.constant 0 : index
    %get3A_25 = arith.constant 0 : index
    %get3A_26 = vector.load %arg6[%get3A_24, %get3A_25] : memref<128x128xf32, #tpu.memory_space<vmem>>, vector<128x128xf32>
    %dot_general3A_27 = arith.constant dense<0.000000e+00> : vector<512x128xf32>
    %dot_general3A_28 = tpu.matmul %get3A_23, %get3A_26, %dot_general3A_27 {dimension_numbers = #tpu.dot_dimension_numbers<[1], [0], [0], [1], [0, 0, 1, 1], [], []>, transpose_lhs_hint = false} : vector<512x128xf32>, vector<128x128xf32>, vector<512x128xf32> -> vector<512x128xf32>
    %add3A_29 = arith.addf %add3A_20, %dot_general3A_28 : vector<512x128xf32>
    %neg3A = arith.constant 0.000000e+00 : f32
    %neg3A_30 = vector.broadcast %neg3A : f32 to vector<512x128xf32>
    %neg3A_31 = arith.subf %neg3A_30, %add3A_29 : vector<512x128xf32>
    %exp3A = math.exp %neg3A_31 : vector<512x128xf32>
    %add3A_32 = arith.constant 1.000000e+00 : f32
    %add3A_33 = vector.broadcast %add3A_32 : f32 to vector<512x128xf32>
    %add3A_34 = arith.addf %add3A_33, %exp3A : vector<512x128xf32>
    %div3A_35 = arith.constant 1.000000e+00 : f32
    %div3A_36 = vector.broadcast %div3A_35 : f32 to vector<512x128xf32>
    %div3A_37 = arith.divf %div3A_36, %add3A_34 : vector<512x128xf32>
    %swap3A = arith.constant 0 : index
    %swap3A_38 = arith.constant 0 : index
    %swap3A_39 = vector.load %arg7[%swap3A, %swap3A_38] : memref<512x128xf32, #tpu.memory_space<vmem>>, vector<512x128xf32>
    tpu.vector_store %arg7[%swap3A, %swap3A_38], %div3A_37 {strides = array<i32>} : memref<512x128xf32, #tpu.memory_space<vmem>>, vector<512x128xf32>,
    return
  }
  func.func @transform_0(%arg0: i32) -> (i32, i32, i32) {
    %c0_i32 = arith.constant 0 : i32
    %c0_i32_0 = arith.constant 0 : i32
    %c0_i32_1 = arith.constant 0 : i32
    return %c0_i32, %arg0, %c0_i32_0 : i32, i32, i32
  }
  func.func @transform_1(%arg0: i32) -> (i32, i32, i32) {
    %c0_i32 = arith.constant 0 : i32
    %c0_i32_0 = arith.constant 0 : i32
    %c0_i32_1 = arith.constant 0 : i32
    return %c0_i32, %arg0, %c0_i32_0 : i32, i32, i32
  }
  func.func @transform_2(%arg0: i32) -> (i32, i32) {
    %c0_i32 = arith.constant 0 : i32
    %c0_i32_0 = arith.constant 0 : i32
    return %arg0, %c0_i32 : i32, i32
  }
  func.func @transform_3(%arg0: i32) -> (i32, i32) {
    %c0_i32 = arith.constant 0 : i32
    %c0_i32_0 = arith.constant 0 : i32
    %c0_i32_1 = arith.constant 0 : i32
    return %c0_i32, %c0_i32_0 : i32, i32
  }
  func.func @transform_4(%arg0: i32) -> (i32, i32) {
    %c0_i32 = arith.constant 0 : i32
    %c0_i32_0 = arith.constant 0 : i32
    %c0_i32_1 = arith.constant 0 : i32
    return %c0_i32, %c0_i32_0 : i32, i32
  }
  func.func @transform_5(%arg0: i32) -> (i32, i32) {
    %c0_i32 = arith.constant 0 : i32
    %c0_i32_0 = arith.constant 0 : i32
    %c0_i32_1 = arith.constant 0 : i32
    return %c0_i32, %c0_i32_0 : i32, i32
  }
  func.func @transform_6(%arg0: i32) -> (i32, i32) {
    %c0_i32 = arith.constant 0 : i32
    %c0_i32_0 = arith.constant 0 : i32
    return %arg0, %c0_i32 : i32, i32
  }
}

module attributes {stable_mosaic.version = 14 : i64} {
  func.func @_loss_body(%arg0: i32, %arg1: memref<2x512x128xf32, #tpu.memory_space<vmem>>, %arg2: memref<2x512x16xf32, #tpu.memory_space<vmem>>, %arg3: memref<512x128xf32, #tpu.memory_space<vmem>>, %arg4: memref<128x48xf32, #tpu.memory_space<vmem>>, %arg5: memref<128x48xf32, #tpu.memory_space<vmem>>, %arg6: memref<1x48xf32, #tpu.memory_space<vmem>>, %arg7: memref<512x3xi32, #tpu.memory_space<vmem>>, %arg8: memref<1x1xf32, #tpu.memory_space<vmem>>) attributes {dimension_semantics = [#tpu.dimension_semantics<arbitrary>], iteration_bounds = array<i64: 20>, scalar_prefetch = 0 : i64, scratch_operands = 0 : i64, tpu.core_type = #tpu.core_type<tc>, window_params = [{transform_indices = @transform_0, window_bounds = array<i64: 2, 512, 128>}, {transform_indices = @transform_1, window_bounds = array<i64: 2, 512, 16>}, {transform_indices = @transform_2, window_bounds = array<i64: 512, 128>}, {pipeline_mode = #tpu.pipeline_mode<synchronous>, transform_indices = @transform_3, window_bounds = array<i64: 128, 48>}, {pipeline_mode = #tpu.pipeline_mode<synchronous>, transform_indices = @transform_4, window_bounds = array<i64: 128, 48>}, {pipeline_mode = #tpu.pipeline_mode<synchronous>, transform_indices = @transform_5, window_bounds = array<i64: 1, 48>}, {transform_indices = @transform_6, window_bounds = array<i64: 512, 3>}, {pipeline_mode = #tpu.pipeline_mode<synchronous>, transform_indices = @transform_7, window_bounds = array<i64: 1, 1>}]} {
    %get3A = arith.constant 0 : index
    %get3A_0 = arith.constant 0 : index
    %get3A_1 = arith.constant 0 : index
    %get3A_2 = vector.load %arg1[%get3A, %get3A_0, %get3A_1] : memref<2x512x128xf32, #tpu.memory_space<vmem>>, vector<2x512x128xf32>
    %reduce_sum3A = arith.constant dense<0.000000e+00> : vector<512x128xf32>
    %reduce_sum3A_3 = vector.multi_reduction <add>, %get3A_2, %reduce_sum3A [0] : vector<2x512x128xf32> to vector<512x128xf32>
    %get3A_4 = arith.constant 0 : index
    %get3A_5 = arith.constant 0 : index
    %get3A_6 = arith.constant 0 : index
    %get3A_7 = vector.load %arg2[%get3A_4, %get3A_5, %get3A_6] : memref<2x512x16xf32, #tpu.memory_space<vmem>>, vector<2x512x16xf32>
    %reduce_sum3A_8 = arith.constant dense<0.000000e+00> : vector<512x16xf32>
    %reduce_sum3A_9 = vector.multi_reduction <add>, %get3A_7, %reduce_sum3A_8 [0] : vector<2x512x16xf32> to vector<512x16xf32>
    %slice3A = vector.extract_strided_slice %reduce_sum3A_9 {offsets = [0, 0], sizes = [512, 1], strides = [1, 1]} : vector<512x16xf32> to vector<512x1xf32>
    %squeeze3A = vector.shape_cast %slice3A : vector<512x1xf32> to vector<512xf32>
    %max3A = arith.constant 1.000000e+00 : f32
    %max3A_10 = vector.broadcast %max3A : f32 to vector<512xf32>
    %max3A_11 = arith.maximumf %squeeze3A, %max3A_10 : vector<512xf32>
    %broadcast_in_dim3A = vector.shape_cast %max3A_11 : vector<512xf32> to vector<512x1xf32>
    %div3A = vector.broadcast %broadcast_in_dim3A : vector<512x1xf32> to vector<512x128xf32>
    %div3A_12 = arith.divf %reduce_sum3A_3, %div3A : vector<512x128xf32>
    %get3A_13 = arith.constant 0 : index
    %get3A_14 = arith.constant 0 : index
    %get3A_15 = vector.load %arg4[%get3A_13, %get3A_14] : memref<128x48xf32, #tpu.memory_space<vmem>>, vector<128x48xf32>
    %dot_general3A = arith.constant dense<0.000000e+00> : vector<512x48xf32>
    %dot_general3A_16 = tpu.matmul %div3A_12, %get3A_15, %dot_general3A {dimension_numbers = #tpu.dot_dimension_numbers<[1], [0], [0], [1], [0, 0, 1, 1], [], []>, transpose_lhs_hint = false} : vector<512x128xf32>, vector<128x48xf32>, vector<512x48xf32> -> vector<512x48xf32>
    %get3A_17 = arith.constant 0 : index
    %get3A_18 = arith.constant 0 : index
    %get3A_19 = vector.load %arg6[%get3A_17, %get3A_18] : memref<1x48xf32, #tpu.memory_space<vmem>>, vector<1x48xf32>
    %add3A = vector.broadcast %get3A_19 : vector<1x48xf32> to vector<512x48xf32>
    %add3A_20 = arith.addf %dot_general3A_16, %add3A : vector<512x48xf32>
    %get3A_21 = arith.constant 0 : index
    %get3A_22 = arith.constant 0 : index
    %get3A_23 = vector.load %arg3[%get3A_21, %get3A_22] : memref<512x128xf32, #tpu.memory_space<vmem>>, vector<512x128xf32>
    %get3A_24 = arith.constant 0 : index
    %get3A_25 = arith.constant 0 : index
    %get3A_26 = vector.load %arg5[%get3A_24, %get3A_25] : memref<128x48xf32, #tpu.memory_space<vmem>>, vector<128x48xf32>
    %dot_general3A_27 = arith.constant dense<0.000000e+00> : vector<512x48xf32>
    %dot_general3A_28 = tpu.matmul %get3A_23, %get3A_26, %dot_general3A_27 {dimension_numbers = #tpu.dot_dimension_numbers<[1], [0], [0], [1], [0, 0, 1, 1], [], []>, transpose_lhs_hint = false} : vector<512x128xf32>, vector<128x48xf32>, vector<512x48xf32> -> vector<512x48xf32>
    %add3A_29 = arith.addf %add3A_20, %dot_general3A_28 : vector<512x48xf32>
    %neg3A = arith.constant 0.000000e+00 : f32
    %neg3A_30 = vector.broadcast %neg3A : f32 to vector<512x48xf32>
    %neg3A_31 = arith.subf %neg3A_30, %add3A_29 : vector<512x48xf32>
    %exp3A = math.exp %neg3A_31 : vector<512x48xf32>
    %add3A_32 = arith.constant 1.000000e+00 : f32
    %add3A_33 = vector.broadcast %add3A_32 : f32 to vector<512x48xf32>
    %add3A_34 = arith.addf %add3A_33, %exp3A : vector<512x48xf32>
    %div3A_35 = arith.constant 1.000000e+00 : f32
    %div3A_36 = vector.broadcast %div3A_35 : f32 to vector<512x48xf32>
    %div3A_37 = arith.divf %div3A_36, %add3A_34 : vector<512x48xf32>
    %mul3A = arith.constant 512 : i32
    %mul3A_38 = arith.muli %arg0, %mul3A : i32
    %iota3A = tpu.iota {dimensions = array<i32: 0>} : vector<512x1xi32>
    %add3A_39 = vector.broadcast %mul3A_38 : i32 to vector<512x1xi32>
    %add3A_40 = arith.addi %add3A_39, %iota3A : vector<512x1xi32>
    %lt3A = arith.constant 10000 : i32
    %lt3A_41 = vector.broadcast %lt3A : i32 to vector<512x1xi32>
    %lt3A_42 = arith.cmpi slt, %add3A_40, %lt3A_41 : vector<512x1xi32>
    %iota3A_43 = tpu.iota {dimensions = array<i32: 1>} : vector<512x16xi32>
    %slice3A_44 = vector.extract_strided_slice %div3A_37 {offsets = [0, 0], sizes = [512, 16], strides = [1, 1]} : vector<512x48xf32> to vector<512x16xf32>
    %reduce_max3A = arith.constant dense<0xFF800000> : vector<512xf32>
    %reduce_max3A_45 = vector.multi_reduction <maximumf>, %slice3A_44, %reduce_max3A [1] : vector<512x16xf32> to vector<512xf32>
    %broadcast_in_dim3A_46 = vector.shape_cast %reduce_max3A_45 : vector<512xf32> to vector<512x1xf32>
    %sub3A = vector.broadcast %broadcast_in_dim3A_46 : vector<512x1xf32> to vector<512x16xf32>
    %sub3A_47 = arith.subf %slice3A_44, %sub3A : vector<512x16xf32>
    %exp3A_48 = math.exp %sub3A_47 : vector<512x16xf32>
    %reduce_sum3A_49 = arith.constant dense<0.000000e+00> : vector<512xf32>
    %reduce_sum3A_50 = vector.multi_reduction <add>, %exp3A_48, %reduce_sum3A_49 [1] : vector<512x16xf32> to vector<512xf32>
    %broadcast_in_dim3A_51 = vector.shape_cast %reduce_sum3A_50 : vector<512xf32> to vector<512x1xf32>
    %log3A = math.log %broadcast_in_dim3A_51 : vector<512x1xf32>
    %add3A_52 = arith.addf %log3A, %broadcast_in_dim3A_46 : vector<512x1xf32>
    %sub3A_53 = vector.broadcast %add3A_52 : vector<512x1xf32> to vector<512x16xf32>
    %sub3A_54 = arith.subf %slice3A_44, %sub3A_53 : vector<512x16xf32>
    %get3A_55 = arith.constant 0 : index
    %get3A_56 = arith.constant 0 : index
    %get3A_57 = vector.load %arg7[%get3A_55, %get3A_56] : memref<512x3xi32, #tpu.memory_space<vmem>>, vector<512x1xi32>
    %eq3A = vector.broadcast %get3A_57 : vector<512x1xi32> to vector<512x16xi32>
    %eq3A_58 = arith.cmpi eq, %iota3A_43, %eq3A : vector<512x16xi32>
    %jit3A = arith.constant 0.000000e+00 : f32
    %broadcast_in_dim3A_59 = vector.broadcast %jit3A : f32 to vector<512x16xf32>
    %select_n3A = arith.select %eq3A_58, %sub3A_54, %broadcast_in_dim3A_59 : vector<512x16xi1>, vector<512x16xf32>
    %reduce_sum3A_60 = arith.constant dense<0.000000e+00> : vector<512xf32>
    %reduce_sum3A_61 = vector.multi_reduction <add>, %select_n3A, %reduce_sum3A_60 [1] : vector<512x16xf32> to vector<512xf32>
    %broadcast_in_dim3A_62 = vector.shape_cast %reduce_sum3A_61 : vector<512xf32> to vector<512x1xf32>
    %jit3A_63 = arith.constant 0.000000e+00 : f32
    %broadcast_in_dim3A_64 = vector.broadcast %jit3A_63 : f32 to vector<512x1xf32>
    %select_n3A_65 = arith.select %lt3A_42, %broadcast_in_dim3A_62, %broadcast_in_dim3A_64 : vector<512x1xi1>, vector<512x1xf32>
    %reduce_sum3A_66 = vector.shape_cast %select_n3A_65 : vector<512x1xf32> to vector<1x512x1xf32>
    %reduce_sum3A_67 = arith.constant dense<0.000000e+00> : vector<1xf32>
    %reduce_sum3A_68 = vector.multi_reduction <add>, %reduce_sum3A_66, %reduce_sum3A_67 [1, 2] : vector<1x512x1xf32> to vector<1xf32>
    %reduce_sum3A_69 = vector.shape_cast %reduce_sum3A_68 : vector<1xf32> to vector<1x1x1xf32>
    %reduce_sum3A_70 = vector.extract %reduce_sum3A_69[0, 0, 0] : f32 from vector<1x1x1xf32>
    %add3A_71 = arith.constant 0.000000e+00 : f32
    %add3A_72 = arith.addf %add3A_71, %reduce_sum3A_70 : f32
    %slice3A_73 = vector.extract_strided_slice %div3A_37 {offsets = [0, 16], sizes = [512, 16], strides = [1, 1]} : vector<512x48xf32> to vector<512x16xf32>
    %reduce_max3A_74 = arith.constant dense<0xFF800000> : vector<512xf32>
    %reduce_max3A_75 = vector.multi_reduction <maximumf>, %slice3A_73, %reduce_max3A_74 [1] : vector<512x16xf32> to vector<512xf32>
    %broadcast_in_dim3A_76 = vector.shape_cast %reduce_max3A_75 : vector<512xf32> to vector<512x1xf32>
    %sub3A_77 = vector.broadcast %broadcast_in_dim3A_76 : vector<512x1xf32> to vector<512x16xf32>
    %sub3A_78 = arith.subf %slice3A_73, %sub3A_77 : vector<512x16xf32>
    %exp3A_79 = math.exp %sub3A_78 : vector<512x16xf32>
    %reduce_sum3A_80 = arith.constant dense<0.000000e+00> : vector<512xf32>
    %reduce_sum3A_81 = vector.multi_reduction <add>, %exp3A_79, %reduce_sum3A_80 [1] : vector<512x16xf32> to vector<512xf32>
    %broadcast_in_dim3A_82 = vector.shape_cast %reduce_sum3A_81 : vector<512xf32> to vector<512x1xf32>
    %log3A_83 = math.log %broadcast_in_dim3A_82 : vector<512x1xf32>
    %add3A_84 = arith.addf %log3A_83, %broadcast_in_dim3A_76 : vector<512x1xf32>
    %sub3A_85 = vector.broadcast %add3A_84 : vector<512x1xf32> to vector<512x16xf32>
    %sub3A_86 = arith.subf %slice3A_73, %sub3A_85 : vector<512x16xf32>
    %get3A_87 = arith.constant 0 : index
    %get3A_88 = arith.constant 1 : index
    %get3A_89 = vector.load %arg7[%get3A_87, %get3A_88] : memref<512x3xi32, #tpu.memory_space<vmem>>, vector<512x1xi32>
    %eq3A_90 = vector.broadcast %get3A_89 : vector<512x1xi32> to vector<512x16xi32>
    %eq3A_91 = arith.cmpi eq, %iota3A_43, %eq3A_90 : vector<512x16xi32>
    %jit3A_92 = arith.constant 0.000000e+00 : f32
    %broadcast_in_dim3A_93 = vector.broadcast %jit3A_92 : f32 to vector<512x16xf32>
    %select_n3A_94 = arith.select %eq3A_91, %sub3A_86, %broadcast_in_dim3A_93 : vector<512x16xi1>, vector<512x16xf32>
    %reduce_sum3A_95 = arith.constant dense<0.000000e+00> : vector<512xf32>
    %reduce_sum3A_96 = vector.multi_reduction <add>, %select_n3A_94, %reduce_sum3A_95 [1] : vector<512x16xf32> to vector<512xf32>
    %broadcast_in_dim3A_97 = vector.shape_cast %reduce_sum3A_96 : vector<512xf32> to vector<512x1xf32>
    %jit3A_98 = arith.constant 0.000000e+00 : f32
    %broadcast_in_dim3A_99 = vector.broadcast %jit3A_98 : f32 to vector<512x1xf32>
    %select_n3A_100 = arith.select %lt3A_42, %broadcast_in_dim3A_97, %broadcast_in_dim3A_99 : vector<512x1xi1>, vector<512x1xf32>
    %reduce_sum3A_101 = vector.shape_cast %select_n3A_100 : vector<512x1xf32> to vector<1x512x1xf32>
    %reduce_sum3A_102 = arith.constant dense<0.000000e+00> : vector<1xf32>
    %reduce_sum3A_103 = vector.multi_reduction <add>, %reduce_sum3A_101, %reduce_sum3A_102 [1, 2] : vector<1x512x1xf32> to vector<1xf32>
    %reduce_sum3A_104 = vector.shape_cast %reduce_sum3A_103 : vector<1xf32> to vector<1x1x1xf32>
    %reduce_sum3A_105 = vector.extract %reduce_sum3A_104[0, 0, 0] : f32 from vector<1x1x1xf32>
    %add3A_106 = arith.addf %add3A_72, %reduce_sum3A_105 : f32
    %slice3A_107 = vector.extract_strided_slice %div3A_37 {offsets = [0, 32], sizes = [512, 16], strides = [1, 1]} : vector<512x48xf32> to vector<512x16xf32>
    %reduce_max3A_108 = arith.constant dense<0xFF800000> : vector<512xf32>
    %reduce_max3A_109 = vector.multi_reduction <maximumf>, %slice3A_107, %reduce_max3A_108 [1] : vector<512x16xf32> to vector<512xf32>
    %broadcast_in_dim3A_110 = vector.shape_cast %reduce_max3A_109 : vector<512xf32> to vector<512x1xf32>
    %sub3A_111 = vector.broadcast %broadcast_in_dim3A_110 : vector<512x1xf32> to vector<512x16xf32>
    %sub3A_112 = arith.subf %slice3A_107, %sub3A_111 : vector<512x16xf32>
    %exp3A_113 = math.exp %sub3A_112 : vector<512x16xf32>
    %reduce_sum3A_114 = arith.constant dense<0.000000e+00> : vector<512xf32>
    %reduce_sum3A_115 = vector.multi_reduction <add>, %exp3A_113, %reduce_sum3A_114 [1] : vector<512x16xf32> to vector<512xf32>
    %broadcast_in_dim3A_116 = vector.shape_cast %reduce_sum3A_115 : vector<512xf32> to vector<512x1xf32>
    %log3A_117 = math.log %broadcast_in_dim3A_116 : vector<512x1xf32>
    %add3A_118 = arith.addf %log3A_117, %broadcast_in_dim3A_110 : vector<512x1xf32>
    %sub3A_119 = vector.broadcast %add3A_118 : vector<512x1xf32> to vector<512x16xf32>
    %sub3A_120 = arith.subf %slice3A_107, %sub3A_119 : vector<512x16xf32>
    %get3A_121 = arith.constant 0 : index
    %get3A_122 = arith.constant 2 : index
    %get3A_123 = vector.load %arg7[%get3A_121, %get3A_122] : memref<512x3xi32, #tpu.memory_space<vmem>>, vector<512x1xi32>
    %eq3A_124 = vector.broadcast %get3A_123 : vector<512x1xi32> to vector<512x16xi32>
    %eq3A_125 = arith.cmpi eq, %iota3A_43, %eq3A_124 : vector<512x16xi32>
    %jit3A_126 = arith.constant 0.000000e+00 : f32
    %broadcast_in_dim3A_127 = vector.broadcast %jit3A_126 : f32 to vector<512x16xf32>
    %select_n3A_128 = arith.select %eq3A_125, %sub3A_120, %broadcast_in_dim3A_127 : vector<512x16xi1>, vector<512x16xf32>
    %reduce_sum3A_129 = arith.constant dense<0.000000e+00> : vector<512xf32>
    %reduce_sum3A_130 = vector.multi_reduction <add>, %select_n3A_128, %reduce_sum3A_129 [1] : vector<512x16xf32> to vector<512xf32>
    %broadcast_in_dim3A_131 = vector.shape_cast %reduce_sum3A_130 : vector<512xf32> to vector<512x1xf32>
    %jit3A_132 = arith.constant 0.000000e+00 : f32
    %broadcast_in_dim3A_133 = vector.broadcast %jit3A_132 : f32 to vector<512x1xf32>
    %select_n3A_134 = arith.select %lt3A_42, %broadcast_in_dim3A_131, %broadcast_in_dim3A_133 : vector<512x1xi1>, vector<512x1xf32>
    %reduce_sum3A_135 = vector.shape_cast %select_n3A_134 : vector<512x1xf32> to vector<1x512x1xf32>
    %reduce_sum3A_136 = arith.constant dense<0.000000e+00> : vector<1xf32>
    %reduce_sum3A_137 = vector.multi_reduction <add>, %reduce_sum3A_135, %reduce_sum3A_136 [1, 2] : vector<1x512x1xf32> to vector<1xf32>
    %reduce_sum3A_138 = vector.shape_cast %reduce_sum3A_137 : vector<1xf32> to vector<1x1x1xf32>
    %reduce_sum3A_139 = vector.extract %reduce_sum3A_138[0, 0, 0] : f32 from vector<1x1x1xf32>
    %add3A_140 = arith.addf %add3A_106, %reduce_sum3A_139 : f32
    %eq3A_141 = arith.constant 0 : i32
    %eq3A_142 = arith.cmpi eq, %arg0, %eq3A_141 : i32
    %convert_element_type3A = arith.extui %eq3A_142 : i1 to i32
    %cond3A = arith.constant 0 : i32
    %cond3A_143 = arith.cmpi ne, %convert_element_type3A, %cond3A : i32
    scf.if %cond3A_143 {
      %broadcast_in_dim3A_154 = arith.constant 0.000000e+00 : f32
      %broadcast_in_dim3A_155 = vector.broadcast %broadcast_in_dim3A_154 : f32 to vector<1x1xf32>
      %swap3A_156 = arith.constant 0 : index
      %swap3A_157 = arith.constant 0 : index
      %swap3A_158 = vector.load %arg8[%swap3A_156, %swap3A_157] : memref<1x1xf32, #tpu.memory_space<vmem>>, vector<1x1xf32>
      tpu.vector_store %arg8[%swap3A_156, %swap3A_157], %broadcast_in_dim3A_155 {strides = array<i32>} : memref<1x1xf32, #tpu.memory_space<vmem>>, vector<1x1xf32>,
    } else {
    }
    %get3A_144 = arith.constant 0 : index
    %get3A_145 = arith.constant 0 : index
    %get3A_146 = vector.load %arg8[%get3A_144, %get3A_145] : memref<1x1xf32, #tpu.memory_space<vmem>>, vector<1x1xf32>
    %neg3A_147 = arith.constant 0.000000e+00 : f32
    %neg3A_148 = arith.subf %neg3A_147, %add3A_140 : f32
    %div3A_149 = arith.constant 1.000000e+04 : f32
    %div3A_150 = arith.divf %neg3A_148, %div3A_149 : f32
    %reshape3A = vector.broadcast %div3A_150 : f32 to vector<1x1xf32>
    %add3A_151 = arith.addf %get3A_146, %reshape3A : vector<1x1xf32>
    %swap3A = arith.constant 0 : index
    %swap3A_152 = arith.constant 0 : index
    %swap3A_153 = vector.load %arg8[%swap3A, %swap3A_152] : memref<1x1xf32, #tpu.memory_space<vmem>>, vector<1x1xf32>
    tpu.vector_store %arg8[%swap3A, %swap3A_152], %add3A_151 {strides = array<i32>} : memref<1x1xf32, #tpu.memory_space<vmem>>, vector<1x1xf32>,
    return
  }
  func.func @transform_0(%arg0: i32) -> (i32, i32, i32) {
    %c0_i32 = arith.constant 0 : i32
    %c0_i32_0 = arith.constant 0 : i32
    %c0_i32_1 = arith.constant 0 : i32
    return %c0_i32, %arg0, %c0_i32_0 : i32, i32, i32
  }
  func.func @transform_1(%arg0: i32) -> (i32, i32, i32) {
    %c0_i32 = arith.constant 0 : i32
    %c0_i32_0 = arith.constant 0 : i32
    %c0_i32_1 = arith.constant 0 : i32
    return %c0_i32, %arg0, %c0_i32_0 : i32, i32, i32
  }
  func.func @transform_2(%arg0: i32) -> (i32, i32) {
    %c0_i32 = arith.constant 0 : i32
    %c0_i32_0 = arith.constant 0 : i32
    return %arg0, %c0_i32 : i32, i32
  }
  func.func @transform_3(%arg0: i32) -> (i32, i32) {
    %c0_i32 = arith.constant 0 : i32
    %c0_i32_0 = arith.constant 0 : i32
    %c0_i32_1 = arith.constant 0 : i32
    return %c0_i32, %c0_i32_0 : i32, i32
  }
  func.func @transform_4(%arg0: i32) -> (i32, i32) {
    %c0_i32 = arith.constant 0 : i32
    %c0_i32_0 = arith.constant 0 : i32
    %c0_i32_1 = arith.constant 0 : i32
    return %c0_i32, %c0_i32_0 : i32, i32
  }
  func.func @transform_5(%arg0: i32) -> (i32, i32) {
    %c0_i32 = arith.constant 0 : i32
    %c0_i32_0 = arith.constant 0 : i32
    %c0_i32_1 = arith.constant 0 : i32
    return %c0_i32, %c0_i32_0 : i32, i32
  }
  func.func @transform_6(%arg0: i32) -> (i32, i32) {
    %c0_i32 = arith.constant 0 : i32
    %c0_i32_0 = arith.constant 0 : i32
    return %arg0, %c0_i32 : i32, i32
  }
  func.func @transform_7(%arg0: i32) -> (i32, i32) {
    %c0_i32 = arith.constant 0 : i32
    %c0_i32_0 = arith.constant 0 : i32
    %c0_i32_1 = arith.constant 0 : i32
    return %c0_i32, %c0_i32_0 : i32, i32
  }
}

</mosaic_0001>

<sc_bundles>
// kernel: kernel.11.cloned.1.call-start
scs
__scs_entry_jumppad:
0x0: {  	(pc) =	sbr.rel $0x88, $3  }
0x1: {  	(tag) =	ssettag $0x0;
	lr =	simm.s32 $0x1  }
0x2: {  	[smem:$0x3F8C] =	sst lr;
	_ =	strace $0xD0000000  }
0x3: {  	_ = 	snop  }
0x4: {  	_ = 	snop  }
0x5: {  	_ = 	snop  }
0x6: {  	_ = 	snop  }
0x7: {  	_ = 	snop  }
__scs_overlays_trampoline_lowered:
0x8: {  	[smem:$0x3F9B] =	sst s0  }
0x9: {  	[smem:$0x3F9C] =	sst s1  }
0xa: {  	[smem:$0x3F9D] =	sst s2  }
0xb: {  	[smem:$0x3F9E] =	sst s3  }
0xc: {  	[smem:$0x3F9F] =	sst s4  }
0xd: {  	[smem:$0x3FA0] =	sst s5  }
0xe: {  	[smem:$0x3FA1] =	sst s6  }
0xf: {  	[smem:$0x3FA2] =	sst s7  }
0x10: {  	[smem:$0x3FA3] =	sst s8  }
0x11: {  	[smem:$0x3FA4] =	sst s9;
	s0 =	simm.s32 @!p0 $0x0  }
0x12: {  	s1 =	sld [smem:$0x3F8A];
	s0 =	simm.s32 @p0 $0x1  }
0x13: {  	[smem:$0x3FA5] =	sst s0;
	s0 =	simm.s32 @!p1 $0x0  }
0x14: {  	s2 =	sld [smem:$0x3F89];
	s0 =	simm.s32 @p1 $0x1  }
0x15: {  	[smem:$0x3FA6] =	sst s0;
	s0 =	simm.s32 @!p2 $0x0  }
0x16: {  	s3 =	sld [smem:$0x3FDB];
	s0 =	simm.s32 @p2 $0x1  }
0x17: {  	s4 =	simm.s32 $0x1BF5;
	[smem:$0x3FA8] =	sst s0  }
0x18: {  	s0 =	sld [smem:$0x3F8B];
	_ =	swait.ge [sflag:s4], $0x0  }
0x19: {  	s7 =	sld [smem:$0x3F8C]  }
0x1a: {  	s8 =	sadd.s32 $0xFFFFE003, lr  }
0x1b: {  	s9 =	sadd.s32 $0xFFFFFEF7, lr;
	s5 =	simm.s32 $0xFFFFFFFF;
	p2 =	slt.u32 s8, $0xFFFFF086  }
0x1c: {  	p1 =	slt.u32 s9, $0xF7A;
	s5 =	simm.s32 @!p2 $0x0  }
0x1d: {  	s5 =	simm.s32 @p1 $0x1;
	p0 =	seq.s32 s7, s2  }
0x1e: {  	s7 =	smul.u32 @!p0 $0xF7A, s2;
	p2 =	seq.s32 @!p0 s5, $0x0  }
0x1f: {  	s9 =	smul.u32 $0xF7A, s1;
	s8 =	simm.s32 @!p0 $0x1BF5;
	p2 =	por !p2, p0  }
0x20: {  	[sflag:s8] =	ssyncset.s32 @!p0 $0xFFFFF086;
	s6 =	sadd.s32 @!p0 s3, s7;
	s7 =	simm.s32 @!p0 $0x108  }
0x21: {  	s3 =	sadd.s32 s3, s9;
	s6 =	sadd.s32 @!p0 $0x88, s6;
	s7 =	simm.s32 @p2 $0x1082  }
0x22: {  	[simem:s7], [sflag:s8] =	dma.local @!p0 [hbm:s6], $0xF7A  }
0x23: {  	s9 =	sor.u32 $0xD0000000, s2;
	s6 =	simm.s32 $0x108;
	_ =	swait.ge @!p0 [sflag:s8], $0x0  }
0x24: {  	s3 =	sadd.s32 $0x88, s3;
	s6 =	simm.s32 @!p1 $0x1082;
	[sflag:s4] =	ssyncset.s32 $0xFFFFF086  }
0x25: {  	[simem:s6], [sflag:s4] =	dma.local [hbm:s3], $0xF7A  }
0x26: {  	[smem:$0x3F8C] =	sst s1;
	(tag) =	ssettag s2;
	_ =	strace s9  }
0x27: {  	s1 =	sld [smem:$0x3F9C]  }
0x28: {  	s2 =	sld [smem:$0x3F9D]  }
0x29: {  	s4 =	sld [smem:$0x3F9F]  }
0x2a: {  	p0 =	seq.s32 s5, $0x0;
	s5 =	sld [smem:$0x3FA0]  }
0x2b: {  	s6 =	sld [smem:$0x3FA1]  }
0x2c: {  	s7 =	sld [smem:$0x3FA2]  }
0x2d: {  	s3 =	simm.s32 $0x108;
	s8 =	sld [smem:$0x3FA3]  }
0x2e: {  	s3 =	simm.s32 @!p0 $0x1082;
	s9 =	sld [smem:$0x3FA4]  }
0x2f: {  	lr =	sadd.s32 s0, s3;
	s0 =	sld [smem:$0x3F9B]  }
0x30: {  	s3 =	sld [smem:$0x3F9E]  }
0x31: {  	[smem:$0x3FA7] =	sst s10  }
0x32: {  	s10 =	sld [smem:$0x3FA5];
	_ =	sdelay $0x3  }
0x33: {  	p0 =	seq.s32 s10, $0x1;
	s10 =	sld [smem:$0x3FA7];
	_ =	sdelay $0x3  }
0x34: {  	[smem:$0x3FA7] =	sst s10  }
0x35: {  	s10 =	sld [smem:$0x3FA6];
	_ =	sdelay $0x3  }
0x36: {  	p1 =	seq.s32 s10, $0x1;
	s10 =	sld [smem:$0x3FA7];
	_ =	sdelay $0x3  }
0x37: {  	[smem:$0x3FA7] =	sst s10  }
0x38: {  	s10 =	sld [smem:$0x3FA8]  }
0x39: {  	_ = 	snop;
	(pc) =	sbr.ind lr, $3  }
0x3a: {  	_ = 	snop  }
0x3b: {  	_ = 	snop  }
0x3c: {  	p2 =	seq.s32 s10, $0x1;
	s10 =	sld [smem:$0x3FA7]  }
0x3d: {  	_ =	shalt  }
0x3e: {  	_ =	shalt  }
0x3f: {  	_ =	shalt  }
0x40: {  	_ =	shalt  }
0x41: {  	_ =	shalt  }
0x42: {  	_ =	shalt  }
0x43: {  	_ =	shalt  }
0x44: {  	_ =	shalt  }
0x45: {  	_ =	shalt  }
0x46: {  	_ =	shalt  }
0x47: {  	_ =	shalt  }
0x48: {  	_ =	shalt  }
0x49: {  	_ =	shalt  }
0x4a: {  	_ =	shalt  }
0x4b: {  	_ =	shalt  }
0x4c: {  	_ =	shalt  }
0x4d: {  	_ =	shalt  }
0x4e: {  	_ =	shalt  }
0x4f: {  	_ =	shalt  }
0x50: {  	_ =	shalt  }
0x51: {  	_ =	shalt  }
0x52: {  	_ =	shalt  }
0x53: {  	_ =	shalt  }
0x54: {  	_ =	shalt  }
0x55: {  	_ =	shalt  }
0x56: {  	_ =	shalt  }
0x57: {  	_ =	shalt  }
0x58: {  	_ =	shalt  }
0x59: {  	_ =	shalt  }
0x5a: {  	_ =	shalt  }
0x5b: {  	_ =	shalt  }
0x5c: {  	_ =	shalt  }
0x5d: {  	_ =	shalt  }
0x5e: {  	_ =	shalt  }
0x5f: {  	_ =	shalt  }
0x60: {  	_ =	shalt  }
0x61: {  	_ =	shalt  }
0x62: {  	_ =	shalt  }
0x63: {  	_ =	shalt  }
0x64: {  	_ =	shalt  }
0x65: {  	_ =	shalt  }
0x66: {  	_ =	shalt  }
0x67: {  	_ =	shalt  }
0x68: {  	_ =	shalt  }
0x69: {  	_ =	shalt  }
0x6a: {  	_ =	shalt  }
0x6b: {  	_ =	shalt  }
0x6c: {  	_ =	shalt  }
0x6d: {  	_ =	shalt  }
0x6e: {  	_ =	shalt  }
0x6f: {  	_ =	shalt  }
0x70: {  	_ =	shalt  }
0x71: {  	_ =	shalt  }
0x72: {  	_ =	shalt  }
0x73: {  	_ =	shalt  }
0x74: {  	_ =	shalt  }
0x75: {  	_ =	shalt  }
0x76: {  	_ =	shalt  }
0x77: {  	_ =	shalt  }
0x78: {  	_ =	shalt  }
0x79: {  	_ =	shalt  }
0x7a: {  	_ =	shalt  }
0x7b: {  	_ =	shalt  }
0x7c: {  	_ =	shalt  }
0x7d: {  	_ =	shalt  }
0x7e: {  	_ =	shalt  }
0x7f: {  	_ =	shalt  }
0x80: {  	_ =	shalt  }
0x81: {  	_ =	shalt  }
0x82: {  	_ =	shalt  }
0x83: {  	_ =	shalt  }
0x84: {  	_ =	shalt  }
0x85: {  	_ =	shalt  }
0x86: {  	_ =	shalt  }
0x87: {  	_ =	shalt  }
.Lfunc_end0:
.L_simem_size_0:
called_computation_lowered:
.L_overlay_start_0:
0x88: {  	s2 =	sld [smem:$0x3FD9]  }
0x89: {  	s3 =	sld [smem:$0x3FFE];
	_ =	sdelay $0x1  }
0x8a: {  	s1 =	srdreg.scid  }
0x8b: {  	s0 =	sand.u32 $0x1, s1  }
0x8c: {  	s17 =	sshll.u32 s0, $0xA;
	s2 =	sadd.s32 s3, s2  }
0x8d: {  	s2 =	sadd.s32 s2, s17  }
0x8e: {  	[smem:$0x3FB3] =	sst s2  }
0x8f: {  	_ = 	snop  }
0x90: {  	(tm) =	ssettm $0x1  }
0x91: {  	s18 =	sld [smem:$0x3FFB];
	_ =	sdelay $0x3  }
0x92: {  	_ =	strace s18  }
0x93: {  	s2 =	sld [smem:$0x3FFC];
	_ =	sdelay $0x3  }
0x94: {  	_ =	strace s2  }
0x95: {  	s2 =	sld [smem:$0x3FFD];
	_ =	sdelay $0x3  }
0x96: {  	_ =	strace s2  }
0x97: {  	_ =	strace $0x8FFFFFFF  }
0x98: {  	s19 =	sld [smem:$0x3FDB];
	_ =	sdelay $0x1  }
0x99: {  	s20 =	simm.s32 $_scs_section_size  }
0x9a: {  	s4 =	simm.s32 $_size__tile_overlayer_lowered;
	s5 =	simm.s32 $_tile_overlayer_lowered  }
0x9b: {  	s6 =	simm.s32 $0x1BFF;
	s21 =	sshll.u32 s5, $0x1;
	s3 =	sadd.s32 s20, s19  }
0x9c: {  	s22 =	simm.s32 $0x0;
	s4 =	sshll.u32 s4, $0x1;
	s5 =	sadd.s32 s21, s3  }
0x9d: {  	[timem:s22], [sflag:s6] =	dma.local [hbm:s5], s4  }
0x9e: {  	_ =	swait.ge [sflag:s6], s4  }
0x9f: {  	s4 =	ssub.s32 $0x0, s4;
	[sflag:s6] =	ssyncset.done $0x0  }
0xa0: {  	[sflag:s6] =	ssyncadd.s32 s4;
	_ =	sdelay $0x1  }
0xa1: {  	s23 =	simm.s32 $0x1B8B  }
0xa2: {  	_ =	swait.ge [sflag:s23], $0x1  }
0xa3: {  	[sflag:s23] =	ssyncset.done $0x0  }
0xa4: {  	[sflag:s23] =	ssyncadd.s32 $0xFFFFFFFF  }
0xa5: {  	s4 =	sld [smem:$0x0]  }
0xa6: {  	s5 =	sand.u32 $0xFFFFFFFE, s1  }
0xa7: {  	p0 =	sne.s32 s1, s5  }
0xa8: {  	s5 =	sshll.u32 @p0 s5, $0xE  }
0xa9: {  	s5 =	sadd.s32 @p0 $0x11B8D, s5;
	s6 =	sshll.u32 @p0 s4, $0x11  }
0xaa: {  	s5 =	sor.u32 @p0 s6, s5  }
0xab: {  	[sflag:s5] =	ssyncadd.remote.s32 @p0 $0x1;
	_ =	sdelay $0x1  }
0xac: {  	s5 =	simm.s32 @p0 $0x1B8D  }
0xad: {  	_ =	swait.eq @p0 [sflag:s5], $0x1  }
0xae: {  	[sflag:s5] =	ssyncadd.s32 @p0 $0xFFFFFFFF  }
0xaf: {  	s6 =	sshll.u32 @!p0 s1, $0xE  }
0xb0: {  	s6 =	sor.u32 @!p0 $0x4000, s6;
	s5 =	simm.s32 @!p0 $0x1B8D  }
0xb1: {  	s4 =	sshll.u32 @!p0 s4, $0x11;
	s6 =	sadd.s32 @!p0 $0x11B8D, s6;
	_ =	swait.eq @!p0 [sflag:s5], $0x1  }
0xb2: {  	s4 =	sor.u32 @!p0 s4, s6;
	[sflag:s5] =	ssyncadd.s32 @!p0 $0xFFFFFFFF  }
0xb3: {  	s25 =	simm.s32 $0x1B8E;
	s24 =	sld [smem:$0x3FFE];
	[sflag:s4] =	ssyncadd.remote.s32 @!p0 $0x1  }
0xb4: {  	s26 =	simm.s32 $execute0_lowered;
	[smem:$0x3FD2] =	sst s25  }
0xb5: {  	s5 =	sshll.u32 s26, $0x1;
	_ =	strace $0x80000049;
	[dreg:$0x1] =	wrdreg $0xFFFFFFFF  }
0xb6: {  	s28 =	simm.s32 $_size_execute0_lowered;
	s3 =	sadd.s32 s3, s5;
	[dreg:$0x0] =	wrdreg $0x0  }
0xb7: {  	s5 =	sshll.u32 s28, $0x1;
	[dreg:$0x2] =	wrdreg s3  }
0xb8: {  	[dreg:$0x3] =	wrdreg s5  }
0xb9: {  	[dreg:$0x4] =	wrdreg $0xC0  }
0xba: {  	_ =	task [dreg:s22], $0x5FFFF  }
0xbb: {  	[dreg:$0x1] =	wrdreg $0xFFFFFFFF  }
0xbc: {  	[dreg:$0x0] =	wrdreg $0x60  }
0xbd: {  	[dreg:$0x2] =	wrdreg s24  }
0xbe: {  	[dreg:$0x3] =	wrdreg $0x68000  }
0xbf: {  	[dreg:$0x4] =	wrdreg $0x9  }
0xc0: {  	_ =	task.clear_ibuf [dreg:s22], $0x5FFFF;
	_ =	strace $0x90000049  }
0xc1: {  	s29 =	simm.s32 $0x9;
	_ =	strace $0x8000004B  }
0xc2: {  	_ =	swait.ge [sflag:s29], $0x1  }
0xc3: {  	[sflag:s29] =	ssyncadd.s32 $0xFFFFFFFF  }
0xc4: {  	_ =	strace $0x9000004B  }
0xc5: {  	_ =	sfence  }
0xc6: {  	s30 =	sld [smem:$0x0];
	_ =	sdelay $0x2  }
0xc7: {  	s31 =	sshll.u32 s1, $0xD;
	s1 =	sshrl.u32 s1, $0x2  }
0xc8: {  	s4 =	sand.u32 $0x4000, s31;
	s1 =	sadd.s32 s1, s30  }
0xc9: {  	s0 =	sor.u32 s4, s0;
	s1 =	sshll.u32 s1, $0x11  }
0xca: {  	s0 =	sor.u32 s1, s0  }
0xcb: {  	s0 =	sadd.s32 $0x8F2B, s0  }
0xcc: {  	[sflag:s0] =	ssyncadd.remote.s32 $0x1  }
0xcd: {  	_ =	sfence.sel $0xFFFF  }
0xce: {  	[dreg:$0x0] =	wrdreg $0xFFFFFFFF;
	(pc) =	sbr.abs _section_cstart, $3  }
0xcf: {  	[dreg:$0x1] =	wrdreg $0xFFFFFFFF  }
0xd0: {  	_ =	task.clear_ibuf [dreg:s22], $0x2FFFF;
	_ =	strace $0x9FFFFFFF  }
0xd1: {  	(tm) =	ssettm $0x7FFFFFFF  }
tec
execute0_lowered:
.L_overlay_start_1:
0x0: {  	(tag) =	ssettag $0x1  }
0x1: {  	s1 =	srdreg.scid;
	s5 =	rddreg [dreg:$0x0]  }
0x2: {  	s0 =	stileid.u32;
	s2 =	rddreg [dreg:$0x1];
	s3 =	simm.s32 $0x0  }
0x3: {  	s14 =	simm.s32 $0x0;
	s4 =	sand.u32 $0x1, s1;
	s1 =	rddreg [dreg:$0x2]  }
0x4: {  	s25 =	sshll.u32 s0, $0x1;
	s7 =	smul.u32 $0x14000, s0;
	[smem:$0x7FF] =	sst s3  }
0x5: {  	s29 =	smul.u32 $0x50000, s0;
	s31 =	sshll.u32 s0, $0x6;
	s6 =	sor.u32 s4, s25  }
0x6: {  	s9 =	smul.u32 $0x140000, s4;
	_ =	strace $0x8000004A;
	s28 =	ssub.s32 $0x2, s4  }
0x7: {  	s4 =	sadd.s32 $0xB9C00, s5;
	s6 =	smul.u32 $0x500, s6;
	s8 =	sshrl.u32 s7, $0x3  }
0x8: {  	s11 =	sshrl.u32 s28, $0x1;
	s30 =	sshrl.u32 s29, $0x2;
	s26 =	sadd.s32 s8, s5  }
0x9: {  	s7 =	sadd.s32 s7, s9;
	s11 =	ssub.s32 s28, s11;
	s13 =	sadd.s32 s30, s2  }
0xa: {  	s10 =	sadd.s32 s6, s5;
	s7 =	sshrl.u32 s7, $0x3;
	s6 =	sor.u32 $0x1C01, s31  }
0xb: {  	s9 =	smax.u32 s11, $0x1;
	s11 =	simm.s32 $0x1;
	s12 =	sadd.s32 s7, s5  }
0xc: {  	s5 =	sadd.s32 $0x41C00, s26;
	s7 =	sadd.s32 $0x5C00, s10;
	s10 =	sshrl.u32 s13, $0x3  }
0xd: {  	s13 =	simm.s32 $0x80;
	s8 =	sadd.s32 $0xBA400, s12;
	s12 =	simm.s32 $0x2800  }
.LBB2_1:
0xe: {  	[spmem:s10], [sflag:s6] =	dma.local [hbm:s5], $0x2800  }
0xf: {  	_ =	swait.ge [sflag:s11], $0x2800  }
0x10: {  	[sflag:s11] =	ssyncset.done $0x0  }
0x11: {  	[sflag:s11] =	ssyncadd.s32 $0xFFFFD800  }
0x12: {  	[tilespmem:s12], [sflag:$0x1] =	stream.linear.gather [hbm4b:s4+s3], $0x4000, $0x38;
	[tilespmem:$0x1A800] =	vst v63  }
0x13: {  	_ =	swait.ge [sflag:s11], $0x4000  }
0x14: {  	[sflag:s11] =	ssyncset.done $0x0  }
0x15: {  	[sflag:s11] =	ssyncadd.s32 $0xFFFFC000  }
0x16: {  	[tilespmem:s3], [sflag:$0x1] =	stream.linear.gather [hbm4b:s7+s3], $0x2780, $0x38;
	[tilespmem:$0x1A800] =	vst v63  }
0x17: {  	_ =	swait.ge [sflag:s11], $0x2780  }
0x18: {  	[sflag:s11] =	ssyncset.done $0x0  }
0x19: {  	[sflag:s11] =	ssyncadd.s32 $0xFFFFD880  }
0x1a: {  	s15 =	simm.s32 $0x0;
	[bflag:$0x0] =	sbarrier.arrive $0xFFFF  }
0x1b: {  	[spmem:s2] =	stream.indirect.scatter.add.f32 [tilespmem:s12], [sflag:$0x1], $0x80, s15, s13, $0xb8;
	[tilespmem:$0x1A800] =	vst v63  }
0x1c: {  	_ =	swait.ge [sflag:s11], $0x4000  }
0x1d: {  	s15 =	simm.s32 $0x200;
	[sflag:s11] =	ssyncset.done $0x0  }
.LBB2_2:
0x1e: {  	s16 =	sshra.s32 s15, $0x2;
	[sflag:s11] =	ssyncadd.s32 $0xFFFFC000;
	p0 =	sne.s32 s15, $0x9C00  }
0x1f: {  	[spmem:s2] =	stream.indirect.scatter.add.f32 [tilespmem:s12], [sflag:$0x1], $0x80, s16, s13, $0xb8;
	[tilespmem:$0x1A800] =	vst v63  }
.Ltmp0:
0x20: {  	_ = 	snop;
	(pc) =	sbr.rel @p0 .LBB2_2-.Ltmp0, $4  }
0x21: {  	_ = 	snop  }
0x22: {  	s15 =	sadd.s32 $0x200, s15  }
0x23: {  	_ =	swait.ge [sflag:s11], $0x4000  }
0x24: {  	[sflag:s11] =	ssyncset.done $0x0  }
0x25: {  	s14 =	sadd.s32 $0x1, s14  }
0x26: {  	[sflag:s11] =	ssyncadd.s32 $0xFFFFC000;
	p0 =	sne.s32 s14, s9  }
.Ltmp1:
0x27: {  	[bflag:$0x0] =	sbarrier.arrive $0xFFFF;
	(pc) =	sbr.rel @p0 .LBB2_1-.Ltmp1, $4  }
0x28: {  	[hbm:s8], [sflag:s6] =	dma.local [spmem:s10], $0x2800  }
0x29: {  	_ =	swait.ge [sflag:s11], $0x2800  }
0x2a: {  	[sflag:s11] =	ssyncset.done $0x0  }
0x2b: {  	[sflag:s11] =	ssyncadd.s32 $0xFFFFD800  }
0x2c: {  	_ =	sfence.sel $0x180000  }
0x2d: {  	[bflag:$0x0] =	sbarrier.arrive $0xFFFF  }
0x2e: {  	p0 =	sne.s32 s0, $0x0;
	_ =	strace $0x9000004A  }
0x2f: {  	s0 =	sadd.s32 @!p0 $0x100000, s1;
	[bflag:$0x2] =	sbarrier.arrive $0xFFFF  }
0x30: {  	[sflag:s0] =	ssyncadd.tile.s32 @!p0 $0x1;
	_ =	shalt  }
.Lfunc_end2:
_tile_overlayer_lowered:
.L_overlay_start_2:
0x31: {  	(tag) =	ssettag $0x2  }
0x32: {  	s0 =	rddreg [dreg:$0x0];
	s2 =	stileid.u32  }
0x33: {  	s1 =	rddreg [dreg:$0x1];
	p0 =	sne.s32 s2, $0x0  }
0x34: {  	s3 =	rddreg [dreg:$0x2];
	[bflag:$0x3] =	sbarrier.arrive $0xFFFF;
	s2 =	simm.s32 @!p0 $0x1C01  }
0x35: {  	[timem:s3], [sflag:s2] =	dma.local @!p0 [hbm:s0], s1  }
0x36: {  	s0 =	simm.s32 @!p0 $0x1  }
0x37: {  	_ =	swait.ge @!p0 [sflag:s0], s1  }
0x38: {  	s1 =	ssub.s32 @!p0 $0x0, s1;
	[sflag:s0] =	ssyncset.done @!p0 $0x0  }
0x39: {  	[sflag:s0] =	ssyncadd.s32 @!p0 s1  }
0x3a: {  	[bflag:$0x3] =	sbarrier.arrive $0xFFFF  }
0x3b: {  	_ =	shalt  }

// kernel: kernel.14.cloned.1.call-start
scs
__scs_entry_jumppad:
0x0: {  	(pc) =	sbr.rel $0x88, $3  }
0x1: {  	(tag) =	ssettag $0x0;
	lr =	simm.s32 $0x1  }
0x2: {  	[smem:$0x3F8C] =	sst lr;
	_ =	strace $0xD0000000  }
0x3: {  	_ = 	snop  }
0x4: {  	_ = 	snop  }
0x5: {  	_ = 	snop  }
0x6: {  	_ = 	snop  }
0x7: {  	_ = 	snop  }
__scs_overlays_trampoline_lowered:
0x8: {  	[smem:$0x3F9B] =	sst s0  }
0x9: {  	[smem:$0x3F9C] =	sst s1  }
0xa: {  	[smem:$0x3F9D] =	sst s2  }
0xb: {  	[smem:$0x3F9E] =	sst s3  }
0xc: {  	[smem:$0x3F9F] =	sst s4  }
0xd: {  	[smem:$0x3FA0] =	sst s5  }
0xe: {  	[smem:$0x3FA1] =	sst s6  }
0xf: {  	[smem:$0x3FA2] =	sst s7  }
0x10: {  	[smem:$0x3FA3] =	sst s8  }
0x11: {  	[smem:$0x3FA4] =	sst s9;
	s0 =	simm.s32 @!p0 $0x0  }
0x12: {  	s1 =	sld [smem:$0x3F8A];
	s0 =	simm.s32 @p0 $0x1  }
0x13: {  	[smem:$0x3FA5] =	sst s0;
	s0 =	simm.s32 @!p1 $0x0  }
0x14: {  	s2 =	sld [smem:$0x3F89];
	s0 =	simm.s32 @p1 $0x1  }
0x15: {  	[smem:$0x3FA6] =	sst s0;
	s0 =	simm.s32 @!p2 $0x0  }
0x16: {  	s3 =	sld [smem:$0x3FDB];
	s0 =	simm.s32 @p2 $0x1  }
0x17: {  	s4 =	simm.s32 $0x1BF5;
	[smem:$0x3FA8] =	sst s0  }
0x18: {  	s0 =	sld [smem:$0x3F8B];
	_ =	swait.ge [sflag:s4], $0x0  }
0x19: {  	s7 =	sld [smem:$0x3F8C]  }
0x1a: {  	s8 =	sadd.s32 $0xFFFFE003, lr  }
0x1b: {  	s9 =	sadd.s32 $0xFFFFFEF7, lr;
	s5 =	simm.s32 $0xFFFFFFFF;
	p2 =	slt.u32 s8, $0xFFFFF086  }
0x1c: {  	p1 =	slt.u32 s9, $0xF7A;
	s5 =	simm.s32 @!p2 $0x0  }
0x1d: {  	s5 =	simm.s32 @p1 $0x1;
	p0 =	seq.s32 s7, s2  }
0x1e: {  	s7 =	smul.u32 @!p0 $0xF7A, s2;
	p2 =	seq.s32 @!p0 s5, $0x0  }
0x1f: {  	s9 =	smul.u32 $0xF7A, s1;
	s8 =	simm.s32 @!p0 $0x1BF5;
	p2 =	por !p2, p0  }
0x20: {  	[sflag:s8] =	ssyncset.s32 @!p0 $0xFFFFF086;
	s6 =	sadd.s32 @!p0 s3, s7;
	s7 =	simm.s32 @!p0 $0x108  }
0x21: {  	s3 =	sadd.s32 s3, s9;
	s6 =	sadd.s32 @!p0 $0x88, s6;
	s7 =	simm.s32 @p2 $0x1082  }
0x22: {  	[simem:s7], [sflag:s8] =	dma.local @!p0 [hbm:s6], $0xF7A  }
0x23: {  	s9 =	sor.u32 $0xD0000000, s2;
	s6 =	simm.s32 $0x108;
	_ =	swait.ge @!p0 [sflag:s8], $0x0  }
0x24: {  	s3 =	sadd.s32 $0x88, s3;
	s6 =	simm.s32 @!p1 $0x1082;
	[sflag:s4] =	ssyncset.s32 $0xFFFFF086  }
0x25: {  	[simem:s6], [sflag:s4] =	dma.local [hbm:s3], $0xF7A  }
0x26: {  	[smem:$0x3F8C] =	sst s1;
	(tag) =	ssettag s2;
	_ =	strace s9  }
0x27: {  	s1 =	sld [smem:$0x3F9C]  }
0x28: {  	s2 =	sld [smem:$0x3F9D]  }
0x29: {  	s4 =	sld [smem:$0x3F9F]  }
0x2a: {  	p0 =	seq.s32 s5, $0x0;
	s5 =	sld [smem:$0x3FA0]  }
0x2b: {  	s6 =	sld [smem:$0x3FA1]  }
0x2c: {  	s7 =	sld [smem:$0x3FA2]  }
0x2d: {  	s3 =	simm.s32 $0x108;
	s8 =	sld [smem:$0x3FA3]  }
0x2e: {  	s3 =	simm.s32 @!p0 $0x1082;
	s9 =	sld [smem:$0x3FA4]  }
0x2f: {  	lr =	sadd.s32 s0, s3;
	s0 =	sld [smem:$0x3F9B]  }
0x30: {  	s3 =	sld [smem:$0x3F9E]  }
0x31: {  	[smem:$0x3FA7] =	sst s10  }
0x32: {  	s10 =	sld [smem:$0x3FA5];
	_ =	sdelay $0x3  }
0x33: {  	p0 =	seq.s32 s10, $0x1;
	s10 =	sld [smem:$0x3FA7];
	_ =	sdelay $0x3  }
0x34: {  	[smem:$0x3FA7] =	sst s10  }
0x35: {  	s10 =	sld [smem:$0x3FA6];
	_ =	sdelay $0x3  }
0x36: {  	p1 =	seq.s32 s10, $0x1;
	s10 =	sld [smem:$0x3FA7];
	_ =	sdelay $0x3  }
0x37: {  	[smem:$0x3FA7] =	sst s10  }
0x38: {  	s10 =	sld [smem:$0x3FA8]  }
0x39: {  	_ = 	snop;
	(pc) =	sbr.ind lr, $3  }
0x3a: {  	_ = 	snop  }
0x3b: {  	_ = 	snop  }
0x3c: {  	p2 =	seq.s32 s10, $0x1;
	s10 =	sld [smem:$0x3FA7]  }
0x3d: {  	_ =	shalt  }
0x3e: {  	_ =	shalt  }
0x3f: {  	_ =	shalt  }
0x40: {  	_ =	shalt  }
0x41: {  	_ =	shalt  }
0x42: {  	_ =	shalt  }
0x43: {  	_ =	shalt  }
0x44: {  	_ =	shalt  }
0x45: {  	_ =	shalt  }
0x46: {  	_ =	shalt  }
0x47: {  	_ =	shalt  }
0x48: {  	_ =	shalt  }
0x49: {  	_ =	shalt  }
0x4a: {  	_ =	shalt  }
0x4b: {  	_ =	shalt  }
0x4c: {  	_ =	shalt  }
0x4d: {  	_ =	shalt  }
0x4e: {  	_ =	shalt  }
0x4f: {  	_ =	shalt  }
0x50: {  	_ =	shalt  }
0x51: {  	_ =	shalt  }
0x52: {  	_ =	shalt  }
0x53: {  	_ =	shalt  }
0x54: {  	_ =	shalt  }
0x55: {  	_ =	shalt  }
0x56: {  	_ =	shalt  }
0x57: {  	_ =	shalt  }
0x58: {  	_ =	shalt  }
0x59: {  	_ =	shalt  }
0x5a: {  	_ =	shalt  }
0x5b: {  	_ =	shalt  }
0x5c: {  	_ =	shalt  }
0x5d: {  	_ =	shalt  }
0x5e: {  	_ =	shalt  }
0x5f: {  	_ =	shalt  }
0x60: {  	_ =	shalt  }
0x61: {  	_ =	shalt  }
0x62: {  	_ =	shalt  }
0x63: {  	_ =	shalt  }
0x64: {  	_ =	shalt  }
0x65: {  	_ =	shalt  }
0x66: {  	_ =	shalt  }
0x67: {  	_ =	shalt  }
0x68: {  	_ =	shalt  }
0x69: {  	_ =	shalt  }
0x6a: {  	_ =	shalt  }
0x6b: {  	_ =	shalt  }
0x6c: {  	_ =	shalt  }
0x6d: {  	_ =	shalt  }
0x6e: {  	_ =	shalt  }
0x6f: {  	_ =	shalt  }
0x70: {  	_ =	shalt  }
0x71: {  	_ =	shalt  }
0x72: {  	_ =	shalt  }
0x73: {  	_ =	shalt  }
0x74: {  	_ =	shalt  }
0x75: {  	_ =	shalt  }
0x76: {  	_ =	shalt  }
0x77: {  	_ =	shalt  }
0x78: {  	_ =	shalt  }
0x79: {  	_ =	shalt  }
0x7a: {  	_ =	shalt  }
0x7b: {  	_ =	shalt  }
0x7c: {  	_ =	shalt  }
0x7d: {  	_ =	shalt  }
0x7e: {  	_ =	shalt  }
0x7f: {  	_ =	shalt  }
0x80: {  	_ =	shalt  }
0x81: {  	_ =	shalt  }
0x82: {  	_ =	shalt  }
0x83: {  	_ =	shalt  }
0x84: {  	_ =	shalt  }
0x85: {  	_ =	shalt  }
0x86: {  	_ =	shalt  }
0x87: {  	_ =	shalt  }
.Lfunc_end0:
.L_simem_size_0:
called_computation.1_lowered:
.L_overlay_start_0:
0x88: {  	s2 =	sld [smem:$0x3FD9]  }
0x89: {  	s3 =	sld [smem:$0x3FFE];
	_ =	sdelay $0x1  }
0x8a: {  	s1 =	srdreg.scid  }
0x8b: {  	s0 =	sand.u32 $0x1, s1  }
0x8c: {  	s16 =	sshll.u32 s0, $0xA;
	s2 =	sadd.s32 s3, s2  }
0x8d: {  	s2 =	sadd.s32 s2, s16  }
0x8e: {  	[smem:$0x3FB3] =	sst s2  }
0x8f: {  	_ = 	snop  }
0x90: {  	(tm) =	ssettm $0x1  }
0x91: {  	s17 =	sld [smem:$0x3FFB];
	_ =	sdelay $0x3  }
0x92: {  	_ =	strace s17  }
0x93: {  	s2 =	sld [smem:$0x3FFC];
	_ =	sdelay $0x3  }
0x94: {  	_ =	strace s2  }
0x95: {  	s2 =	sld [smem:$0x3FFD];
	_ =	sdelay $0x3  }
0x96: {  	_ =	strace s2  }
0x97: {  	_ =	strace $0x8FFFFFFF  }
0x98: {  	s18 =	sld [smem:$0x3FDB];
	_ =	sdelay $0x1  }
0x99: {  	s19 =	simm.s32 $_scs_section_size  }
0x9a: {  	s4 =	simm.s32 $_size__tile_overlayer_lowered;
	s5 =	simm.s32 $_tile_overlayer_lowered  }
0x9b: {  	s22 =	simm.s32 $0x1BFF;
	s21 =	sshll.u32 s5, $0x1;
	s2 =	sadd.s32 s19, s18  }
0x9c: {  	s6 =	simm.s32 $0x0;
	s20 =	sshll.u32 s4, $0x1;
	s4 =	sadd.s32 s21, s2  }
0x9d: {  	[timem:s6], [sflag:s22] =	dma.local [hbm:s4], s20  }
0x9e: {  	_ =	swait.ge [sflag:s22], s20  }
0x9f: {  	s3 =	ssub.s32 $0x0, s20;
	[sflag:s22] =	ssyncset.done $0x0  }
0xa0: {  	[sflag:s22] =	ssyncadd.s32 s3;
	_ =	sdelay $0x1  }
0xa1: {  	s23 =	simm.s32 $0x1B8B  }
0xa2: {  	_ =	swait.ge [sflag:s23], $0x1  }
0xa3: {  	[sflag:s23] =	ssyncset.done $0x0  }
0xa4: {  	s25 =	simm.s32 $0x1B8E;
	s24 =	sld [smem:$0x3FFE];
	[sflag:s23] =	ssyncadd.s32 $0xFFFFFFFF  }
0xa5: {  	s26 =	simm.s32 $execute0_lowered;
	[smem:$0x3FD2] =	sst s25  }
0xa6: {  	s4 =	sshll.u32 s26, $0x1;
	_ =	strace $0x80000046;
	[dreg:$0x1] =	wrdreg $0xFFFFFFFF  }
0xa7: {  	s28 =	simm.s32 $_size_execute0_lowered;
	s2 =	sadd.s32 s2, s4;
	[dreg:$0x0] =	wrdreg $0x0  }
0xa8: {  	s4 =	sshll.u32 s28, $0x1;
	[dreg:$0x2] =	wrdreg s2  }
0xa9: {  	[dreg:$0x3] =	wrdreg s4  }
0xaa: {  	[dreg:$0x4] =	wrdreg $0xC0  }
0xab: {  	_ =	task [dreg:s6], $0x5FFFF  }
0xac: {  	[dreg:$0x1] =	wrdreg $0xFFFFFFFF  }
0xad: {  	[dreg:$0x0] =	wrdreg $0x60  }
0xae: {  	[dreg:$0x2] =	wrdreg s24  }
0xaf: {  	[dreg:$0x3] =	wrdreg $0x90000  }
0xb0: {  	[dreg:$0x4] =	wrdreg $0xA  }
0xb1: {  	_ =	task.clear_ibuf [dreg:s6], $0x5FFFF;
	_ =	strace $0x90000046  }
0xb2: {  	s29 =	simm.s32 $0xA;
	_ =	strace $0x80000048  }
0xb3: {  	_ =	swait.ge [sflag:s29], $0x1  }
0xb4: {  	[sflag:s29] =	ssyncadd.s32 $0xFFFFFFFF  }
0xb5: {  	_ =	strace $0x90000048  }
0xb6: {  	_ =	sfence  }
0xb7: {  	s30 =	sld [smem:$0x0];
	_ =	sdelay $0x2  }
0xb8: {  	s31 =	sshll.u32 s1, $0xD;
	s1 =	sshrl.u32 s1, $0x2  }
0xb9: {  	s3 =	sand.u32 $0x4000, s31;
	s1 =	sadd.s32 s1, s30  }
0xba: {  	s0 =	sor.u32 s3, s0;
	s1 =	sshll.u32 s1, $0x11  }
0xbb: {  	s0 =	sor.u32 s1, s0  }
0xbc: {  	s0 =	sadd.s32 $0x8F2B, s0  }
0xbd: {  	[sflag:s0] =	ssyncadd.remote.s32 $0x1  }
0xbe: {  	_ =	sfence.sel $0xFFFF  }
0xbf: {  	[dreg:$0x0] =	wrdreg $0xFFFFFFFF;
	(pc) =	sbr.abs _section_cstart, $3  }
0xc0: {  	[dreg:$0x1] =	wrdreg $0xFFFFFFFF  }
0xc1: {  	_ =	task.clear_ibuf [dreg:s6], $0x2FFFF;
	_ =	strace $0x9FFFFFFF  }
0xc2: {  	(tm) =	ssettm $0x7FFFFFFF  }
0xc3: {  	_ =	shalt  }
tec
execute0_lowered:
.L_overlay_start_1:
0x0: {  	(tag) =	ssettag $0x1  }
0x1: {  	s1 =	srdreg.scid;
	s5 =	rddreg [dreg:$0x0]  }
0x2: {  	s0 =	stileid.u32;
	s2 =	rddreg [dreg:$0x1];
	s3 =	simm.s32 $0x0  }
0x3: {  	s14 =	simm.s32 $0x80;
	s15 =	simm.s32 $0x5000;
	s16 =	simm.s32 $0x1  }
0x4: {  	s17 =	simm.s32 $0x0;
	s6 =	sand.u32 $0x1, s1;
	s1 =	rddreg [dreg:$0x2]  }
0x5: {  	s26 =	sshll.u32 s0, $0x1;
	[smem:$0x7FF] =	sst s3;
	s8 =	smul.u32 $0x14000, s0  }
0x6: {  	s29 =	smul.u32 $0x50000, s0;
	s31 =	sshll.u32 s0, $0x6;
	s4 =	sor.u32 s6, s26  }
0x7: {  	_ =	strace $0x80000047;
	s9 =	smul.u32 $0x140000, s6;
	s6 =	ssub.s32 $0x2, s6  }
0x8: {  	s7 =	smul.u32 $0x500, s4;
	s4 =	sadd.s32 $0x19C00, s5;
	s28 =	sshrl.u32 s8, $0x3  }
0x9: {  	s11 =	sshrl.u32 s6, $0x1;
	s30 =	sshrl.u32 s29, $0x2;
	s8 =	sadd.s32 s8, s9  }
0xa: {  	s11 =	ssub.s32 s6, s11;
	s13 =	sadd.s32 s30, s2;
	s6 =	sor.u32 $0x1C02, s31  }
0xb: {  	s10 =	sadd.s32 s7, s5;
	s7 =	sadd.s32 s28, s5;
	s8 =	sshrl.u32 s8, $0x3  }
0xc: {  	s12 =	sadd.s32 s8, s5;
	s5 =	sadd.s32 $0x41C00, s7;
	s7 =	sadd.s32 $0xFC00, s10  }
0xd: {  	s8 =	sadd.s32 $0x5C00, s10;
	s10 =	smax.u32 s11, $0x1;
	s11 =	sshrl.u32 s13, $0x3  }
0xe: {  	s13 =	simm.s32 $0x2800;
	s9 =	sadd.s32 $0x69C00, s12;
	s12 =	simm.s32 $0x2  }
.LBB2_1:
0xf: {  	[spmem:s11], [sflag:s6] =	dma.local [hbm:s5], $0x2800  }
0x10: {  	_ =	swait.ge [sflag:s12], $0x2800  }
0x11: {  	[sflag:s12] =	ssyncset.done $0x0  }
0x12: {  	[sflag:s12] =	ssyncadd.s32 $0xFFFFD800  }
0x13: {  	[tilespmem:s3], [sflag:$0x2] =	stream.linear.gather [hbm4b:s7+s3], $0x2780, $0x38;
	[tilespmem:$0x1D000] =	vst v63  }
0x14: {  	_ =	swait.ge [sflag:s12], $0x2780  }
0x15: {  	[sflag:s12] =	ssyncset.done $0x0  }
0x16: {  	[sflag:s12] =	ssyncadd.s32 $0xFFFFD880  }
0x17: {  	[tilespmem:s13], [sflag:$0x2] =	stream.linear.gather [hbm4b:s8+s3], $0x2780, $0x38;
	[tilespmem:$0x1D000] =	vst v63  }
0x18: {  	_ =	swait.ge [sflag:s12], $0x2780  }
0x19: {  	[sflag:s12] =	ssyncset.done $0x0  }
0x1a: {  	[sflag:s12] =	ssyncadd.s32 $0xFFFFD880  }
0x1b: {  	s18 =	simm.s32 $0x0;
	[bflag:$0x0] =	sbarrier.arrive $0xFFFF  }
0x1c: {  	[tilespmem:s15], [sflag:$0x1] =	stream.indirect.gather [hbm4b:s4+s14], $0x80, s18, s14, $0xb8;
	[tilespmem:$0x1D000] =	vst v63  }
0x1d: {  	_ =	swait.ge [sflag:s16], $0x4000  }
0x1e: {  	[sflag:s16] =	ssyncset.done $0x0  }
0x1f: {  	s31 =	simm.s32 $0x2800;
	[sflag:s16] =	ssyncadd.s32 $0xFFFFC000  }
0x20: {  	[spmem:s2] =	stream.indirect.scatter.add.f32 [tilespmem:s15], [sflag:$0x2], $0x80, s31, s14, $0xb8;
	[tilespmem:$0x1D000] =	vst v63  }
0x21: {  	_ =	swait.ge [sflag:s12], $0x4000  }
0x22: {  	s19 =	simm.s32 $0x400;
	s18 =	simm.s32 $0x200;
	[sflag:s12] =	ssyncset.done $0x0  }
.LBB2_2:
0x23: {  	s20 =	sshra.s32 s18, $0x2  }
0x24: {  	[sflag:s12] =	ssyncadd.s32 $0xFFFFC000;
	s18 =	smov.u32 s19;
	s21 =	sadd.s32 $0x200, s19  }
0x25: {  	[tilespmem:s15], [sflag:$0x1] =	stream.indirect.gather [hbm4b:s4+s14], $0x80, s20, s14, $0xb8;
	[tilespmem:$0x1D000] =	vst v63  }
0x26: {  	p0 =	sne.s32 s19, $0x9C00;
	_ =	swait.ge [sflag:s16], $0x4000  }
.Ltmp0:
0x27: {  	[sflag:s16] =	ssyncset.done $0x0;
	(pc) =	sbr.rel @p0 .LBB2_2-.Ltmp0, $4  }
0x28: {  	s19 =	sadd.s32 $0x2800, s20;
	[sflag:s16] =	ssyncadd.s32 $0xFFFFC000  }
0x29: {  	[spmem:s2] =	stream.indirect.scatter.add.f32 [tilespmem:s15], [sflag:$0x2], $0x80, s19, s14, $0xb8;
	[tilespmem:$0x1D000] =	vst v63  }
0x2a: {  	_ =	swait.ge [sflag:s12], $0x4000  }
0x2b: {  	s19 =	smov.u32 s21;
	[sflag:s12] =	ssyncset.done $0x0  }
0x2c: {  	s18 =	sshra.s32 s18, $0x2;
	[sflag:s12] =	ssyncadd.s32 $0xFFFFC000  }
0x2d: {  	[tilespmem:s15], [sflag:$0x1] =	stream.indirect.gather [hbm4b:s4+s14], $0x80, s18, s14, $0xb8;
	[tilespmem:$0x1D000] =	vst v63  }
0x2e: {  	_ =	swait.ge [sflag:s16], $0x4000  }
0x2f: {  	[sflag:s16] =	ssyncset.done $0x0  }
0x30: {  	s18 =	sadd.s32 $0x2800, s18;
	[sflag:s16] =	ssyncadd.s32 $0xFFFFC000  }
0x31: {  	[spmem:s2] =	stream.indirect.scatter.add.f32 [tilespmem:s15], [sflag:$0x2], $0x80, s18, s14, $0xb8;
	[tilespmem:$0x1D000] =	vst v63  }
0x32: {  	_ =	swait.ge [sflag:s12], $0x4000  }
0x33: {  	s17 =	sadd.s32 $0x1, s17;
	[sflag:s12] =	ssyncset.done $0x0  }
0x34: {  	p0 =	sne.s32 s17, s10;
	[sflag:s12] =	ssyncadd.s32 $0xFFFFC000  }
.Ltmp1:
0x35: {  	[bflag:$0x0] =	sbarrier.arrive $0xFFFF;
	(pc) =	sbr.rel @p0 .LBB2_1-.Ltmp1, $4  }
0x36: {  	[hbm:s9], [sflag:s6] =	dma.local [spmem:s11], $0x2800  }
0x37: {  	_ =	swait.ge [sflag:s12], $0x2800  }
0x38: {  	[sflag:s12] =	ssyncset.done $0x0  }
0x39: {  	[sflag:s12] =	ssyncadd.s32 $0xFFFFD800  }
0x3a: {  	_ =	sfence.sel $0x180000  }
0x3b: {  	[bflag:$0x0] =	sbarrier.arrive $0xFFFF  }
0x3c: {  	p0 =	sne.s32 s0, $0x0;
	_ =	strace $0x90000047  }
0x3d: {  	s0 =	sadd.s32 @!p0 $0x100000, s1;
	[bflag:$0x2] =	sbarrier.arrive $0xFFFF  }
0x3e: {  	[sflag:s0] =	ssyncadd.tile.s32 @!p0 $0x1;
	_ =	shalt  }
.Lfunc_end2:
_tile_overlayer_lowered:
.L_overlay_start_2:
0x3f: {  	(tag) =	ssettag $0x2  }
0x40: {  	s0 =	rddreg [dreg:$0x0];
	s2 =	stileid.u32  }
0x41: {  	s1 =	rddreg [dreg:$0x1];
	p0 =	sne.s32 s2, $0x0  }
0x42: {  	s3 =	rddreg [dreg:$0x2];
	[bflag:$0x3] =	sbarrier.arrive $0xFFFF;
	s2 =	simm.s32 @!p0 $0x1C02  }
0x43: {  	[timem:s3], [sflag:s2] =	dma.local @!p0 [hbm:s0], s1  }
0x44: {  	s0 =	simm.s32 @!p0 $0x2  }
0x45: {  	_ =	swait.ge @!p0 [sflag:s0], s1  }
0x46: {  	s1 =	ssub.s32 @!p0 $0x0, s1;
	[sflag:s0] =	ssyncset.done @!p0 $0x0  }
0x47: {  	[sflag:s0] =	ssyncadd.s32 @!p0 s1  }
0x48: {  	[bflag:$0x3] =	sbarrier.arrive $0xFFFF  }
0x49: {  	_ =	shalt  }

// kernel: kernel.17.cloned.1.call-start
scs
__scs_entry_jumppad:
0x0: {  	(pc) =	sbr.rel $0x88, $3  }
0x1: {  	(tag) =	ssettag $0x0;
	lr =	simm.s32 $0x1  }
0x2: {  	[smem:$0x3F8C] =	sst lr;
	_ =	strace $0xD0000000  }
0x3: {  	_ = 	snop  }
0x4: {  	_ = 	snop  }
0x5: {  	_ = 	snop  }
0x6: {  	_ = 	snop  }
0x7: {  	_ = 	snop  }
__scs_overlays_trampoline_lowered:
0x8: {  	[smem:$0x3F9B] =	sst s0  }
0x9: {  	[smem:$0x3F9C] =	sst s1  }
0xa: {  	[smem:$0x3F9D] =	sst s2  }
0xb: {  	[smem:$0x3F9E] =	sst s3  }
0xc: {  	[smem:$0x3F9F] =	sst s4  }
0xd: {  	[smem:$0x3FA0] =	sst s5  }
0xe: {  	[smem:$0x3FA1] =	sst s6  }
0xf: {  	[smem:$0x3FA2] =	sst s7  }
0x10: {  	[smem:$0x3FA3] =	sst s8  }
0x11: {  	[smem:$0x3FA4] =	sst s9;
	s0 =	simm.s32 @!p0 $0x0  }
0x12: {  	s1 =	sld [smem:$0x3F8A];
	s0 =	simm.s32 @p0 $0x1  }
0x13: {  	[smem:$0x3FA5] =	sst s0;
	s0 =	simm.s32 @!p1 $0x0  }
0x14: {  	s2 =	sld [smem:$0x3F89];
	s0 =	simm.s32 @p1 $0x1  }
0x15: {  	[smem:$0x3FA6] =	sst s0;
	s0 =	simm.s32 @!p2 $0x0  }
0x16: {  	s3 =	sld [smem:$0x3FDB];
	s0 =	simm.s32 @p2 $0x1  }
0x17: {  	s4 =	simm.s32 $0x1BF5;
	[smem:$0x3FA8] =	sst s0  }
0x18: {  	s0 =	sld [smem:$0x3F8B];
	_ =	swait.ge [sflag:s4], $0x0  }
0x19: {  	s7 =	sld [smem:$0x3F8C]  }
0x1a: {  	s8 =	sadd.s32 $0xFFFFE003, lr  }
0x1b: {  	s9 =	sadd.s32 $0xFFFFFEF7, lr;
	s5 =	simm.s32 $0xFFFFFFFF;
	p2 =	slt.u32 s8, $0xFFFFF086  }
0x1c: {  	p1 =	slt.u32 s9, $0xF7A;
	s5 =	simm.s32 @!p2 $0x0  }
0x1d: {  	s5 =	simm.s32 @p1 $0x1;
	p0 =	seq.s32 s7, s2  }
0x1e: {  	s7 =	smul.u32 @!p0 $0xF7A, s2;
	p2 =	seq.s32 @!p0 s5, $0x0  }
0x1f: {  	s9 =	smul.u32 $0xF7A, s1;
	s8 =	simm.s32 @!p0 $0x1BF5;
	p2 =	por !p2, p0  }
0x20: {  	[sflag:s8] =	ssyncset.s32 @!p0 $0xFFFFF086;
	s6 =	sadd.s32 @!p0 s3, s7;
	s7 =	simm.s32 @!p0 $0x108  }
0x21: {  	s3 =	sadd.s32 s3, s9;
	s6 =	sadd.s32 @!p0 $0x88, s6;
	s7 =	simm.s32 @p2 $0x1082  }
0x22: {  	[simem:s7], [sflag:s8] =	dma.local @!p0 [hbm:s6], $0xF7A  }
0x23: {  	s9 =	sor.u32 $0xD0000000, s2;
	s6 =	simm.s32 $0x108;
	_ =	swait.ge @!p0 [sflag:s8], $0x0  }
0x24: {  	s3 =	sadd.s32 $0x88, s3;
	s6 =	simm.s32 @!p1 $0x1082;
	[sflag:s4] =	ssyncset.s32 $0xFFFFF086  }
0x25: {  	[simem:s6], [sflag:s4] =	dma.local [hbm:s3], $0xF7A  }
0x26: {  	[smem:$0x3F8C] =	sst s1;
	(tag) =	ssettag s2;
	_ =	strace s9  }
0x27: {  	s1 =	sld [smem:$0x3F9C]  }
0x28: {  	s2 =	sld [smem:$0x3F9D]  }
0x29: {  	s4 =	sld [smem:$0x3F9F]  }
0x2a: {  	p0 =	seq.s32 s5, $0x0;
	s5 =	sld [smem:$0x3FA0]  }
0x2b: {  	s6 =	sld [smem:$0x3FA1]  }
0x2c: {  	s7 =	sld [smem:$0x3FA2]  }
0x2d: {  	s3 =	simm.s32 $0x108;
	s8 =	sld [smem:$0x3FA3]  }
0x2e: {  	s3 =	simm.s32 @!p0 $0x1082;
	s9 =	sld [smem:$0x3FA4]  }
0x2f: {  	lr =	sadd.s32 s0, s3;
	s0 =	sld [smem:$0x3F9B]  }
0x30: {  	s3 =	sld [smem:$0x3F9E]  }
0x31: {  	[smem:$0x3FA7] =	sst s10  }
0x32: {  	s10 =	sld [smem:$0x3FA5];
	_ =	sdelay $0x3  }
0x33: {  	p0 =	seq.s32 s10, $0x1;
	s10 =	sld [smem:$0x3FA7];
	_ =	sdelay $0x3  }
0x34: {  	[smem:$0x3FA7] =	sst s10  }
0x35: {  	s10 =	sld [smem:$0x3FA6];
	_ =	sdelay $0x3  }
0x36: {  	p1 =	seq.s32 s10, $0x1;
	s10 =	sld [smem:$0x3FA7];
	_ =	sdelay $0x3  }
0x37: {  	[smem:$0x3FA7] =	sst s10  }
0x38: {  	s10 =	sld [smem:$0x3FA8]  }
0x39: {  	_ = 	snop;
	(pc) =	sbr.ind lr, $3  }
0x3a: {  	_ = 	snop  }
0x3b: {  	_ = 	snop  }
0x3c: {  	p2 =	seq.s32 s10, $0x1;
	s10 =	sld [smem:$0x3FA7]  }
0x3d: {  	_ =	shalt  }
0x3e: {  	_ =	shalt  }
0x3f: {  	_ =	shalt  }
0x40: {  	_ =	shalt  }
0x41: {  	_ =	shalt  }
0x42: {  	_ =	shalt  }
0x43: {  	_ =	shalt  }
0x44: {  	_ =	shalt  }
0x45: {  	_ =	shalt  }
0x46: {  	_ =	shalt  }
0x47: {  	_ =	shalt  }
0x48: {  	_ =	shalt  }
0x49: {  	_ =	shalt  }
0x4a: {  	_ =	shalt  }
0x4b: {  	_ =	shalt  }
0x4c: {  	_ =	shalt  }
0x4d: {  	_ =	shalt  }
0x4e: {  	_ =	shalt  }
0x4f: {  	_ =	shalt  }
0x50: {  	_ =	shalt  }
0x51: {  	_ =	shalt  }
0x52: {  	_ =	shalt  }
0x53: {  	_ =	shalt  }
0x54: {  	_ =	shalt  }
0x55: {  	_ =	shalt  }
0x56: {  	_ =	shalt  }
0x57: {  	_ =	shalt  }
0x58: {  	_ =	shalt  }
0x59: {  	_ =	shalt  }
0x5a: {  	_ =	shalt  }
0x5b: {  	_ =	shalt  }
0x5c: {  	_ =	shalt  }
0x5d: {  	_ =	shalt  }
0x5e: {  	_ =	shalt  }
0x5f: {  	_ =	shalt  }
0x60: {  	_ =	shalt  }
0x61: {  	_ =	shalt  }
0x62: {  	_ =	shalt  }
0x63: {  	_ =	shalt  }
0x64: {  	_ =	shalt  }
0x65: {  	_ =	shalt  }
0x66: {  	_ =	shalt  }
0x67: {  	_ =	shalt  }
0x68: {  	_ =	shalt  }
0x69: {  	_ =	shalt  }
0x6a: {  	_ =	shalt  }
0x6b: {  	_ =	shalt  }
0x6c: {  	_ =	shalt  }
0x6d: {  	_ =	shalt  }
0x6e: {  	_ =	shalt  }
0x6f: {  	_ =	shalt  }
0x70: {  	_ =	shalt  }
0x71: {  	_ =	shalt  }
0x72: {  	_ =	shalt  }
0x73: {  	_ =	shalt  }
0x74: {  	_ =	shalt  }
0x75: {  	_ =	shalt  }
0x76: {  	_ =	shalt  }
0x77: {  	_ =	shalt  }
0x78: {  	_ =	shalt  }
0x79: {  	_ =	shalt  }
0x7a: {  	_ =	shalt  }
0x7b: {  	_ =	shalt  }
0x7c: {  	_ =	shalt  }
0x7d: {  	_ =	shalt  }
0x7e: {  	_ =	shalt  }
0x7f: {  	_ =	shalt  }
0x80: {  	_ =	shalt  }
0x81: {  	_ =	shalt  }
0x82: {  	_ =	shalt  }
0x83: {  	_ =	shalt  }
0x84: {  	_ =	shalt  }
0x85: {  	_ =	shalt  }
0x86: {  	_ =	shalt  }
0x87: {  	_ =	shalt  }
.Lfunc_end0:
.L_simem_size_0:
called_computation.2_lowered:
.L_overlay_start_0:
0x88: {  	s2 =	sld [smem:$0x3FD9]  }
0x89: {  	s3 =	sld [smem:$0x3FFE];
	_ =	sdelay $0x1  }
0x8a: {  	s1 =	srdreg.scid  }
0x8b: {  	s0 =	sand.u32 $0x1, s1  }
0x8c: {  	s16 =	sshll.u32 s0, $0xA;
	s2 =	sadd.s32 s3, s2  }
0x8d: {  	s2 =	sadd.s32 s2, s16  }
0x8e: {  	[smem:$0x3FB3] =	sst s2  }
0x8f: {  	_ = 	snop  }
0x90: {  	(tm) =	ssettm $0x1  }
0x91: {  	s17 =	sld [smem:$0x3FFB];
	_ =	sdelay $0x3  }
0x92: {  	_ =	strace s17  }
0x93: {  	s2 =	sld [smem:$0x3FFC];
	_ =	sdelay $0x3  }
0x94: {  	_ =	strace s2  }
0x95: {  	s2 =	sld [smem:$0x3FFD];
	_ =	sdelay $0x3  }
0x96: {  	_ =	strace s2  }
0x97: {  	_ =	strace $0x8FFFFFFF  }
0x98: {  	s18 =	sld [smem:$0x3FDB];
	_ =	sdelay $0x1  }
0x99: {  	s19 =	simm.s32 $_scs_section_size  }
0x9a: {  	s4 =	simm.s32 $_size__tile_overlayer_lowered;
	s5 =	simm.s32 $_tile_overlayer_lowered  }
0x9b: {  	s22 =	simm.s32 $0x1BFF;
	s21 =	sshll.u32 s5, $0x1;
	s2 =	sadd.s32 s19, s18  }
0x9c: {  	s6 =	simm.s32 $0x0;
	s20 =	sshll.u32 s4, $0x1;
	s4 =	sadd.s32 s21, s2  }
0x9d: {  	[timem:s6], [sflag:s22] =	dma.local [hbm:s4], s20  }
0x9e: {  	_ =	swait.ge [sflag:s22], s20  }
0x9f: {  	s3 =	ssub.s32 $0x0, s20;
	[sflag:s22] =	ssyncset.done $0x0  }
0xa0: {  	[sflag:s22] =	ssyncadd.s32 s3;
	_ =	sdelay $0x1  }
0xa1: {  	s23 =	simm.s32 $0x1B8B  }
0xa2: {  	_ =	swait.ge [sflag:s23], $0x1  }
0xa3: {  	[sflag:s23] =	ssyncset.done $0x0  }
0xa4: {  	s25 =	simm.s32 $0x1B8E;
	s24 =	sld [smem:$0x3FFE];
	[sflag:s23] =	ssyncadd.s32 $0xFFFFFFFF  }
0xa5: {  	s26 =	simm.s32 $execute0_lowered;
	[smem:$0x3FD2] =	sst s25  }
0xa6: {  	s4 =	sshll.u32 s26, $0x1;
	_ =	strace $0x8000004C;
	[dreg:$0x1] =	wrdreg $0xFFFFFFFF  }
0xa7: {  	s28 =	simm.s32 $_size_execute0_lowered;
	s2 =	sadd.s32 s2, s4;
	[dreg:$0x0] =	wrdreg $0x0  }
0xa8: {  	s4 =	sshll.u32 s28, $0x1;
	[dreg:$0x2] =	wrdreg s2  }
0xa9: {  	[dreg:$0x3] =	wrdreg s4  }
0xaa: {  	[dreg:$0x4] =	wrdreg $0xC0  }
0xab: {  	_ =	task [dreg:s6], $0x5FFFF  }
0xac: {  	[dreg:$0x1] =	wrdreg $0xFFFFFFFF  }
0xad: {  	[dreg:$0x0] =	wrdreg $0x60  }
0xae: {  	[dreg:$0x2] =	wrdreg s24  }
0xaf: {  	[dreg:$0x3] =	wrdreg $0x90000  }
0xb0: {  	[dreg:$0x4] =	wrdreg $0x9  }
0xb1: {  	_ =	task.clear_ibuf [dreg:s6], $0x5FFFF;
	_ =	strace $0x9000004C  }
0xb2: {  	s29 =	simm.s32 $0x9;
	_ =	strace $0x8000004E  }
0xb3: {  	_ =	swait.ge [sflag:s29], $0x1  }
0xb4: {  	[sflag:s29] =	ssyncadd.s32 $0xFFFFFFFF  }
0xb5: {  	_ =	strace $0x9000004E  }
0xb6: {  	_ =	sfence  }
0xb7: {  	s30 =	sld [smem:$0x0];
	_ =	sdelay $0x2  }
0xb8: {  	s31 =	sshll.u32 s1, $0xD;
	s1 =	sshrl.u32 s1, $0x2  }
0xb9: {  	s3 =	sand.u32 $0x4000, s31;
	s1 =	sadd.s32 s1, s30  }
0xba: {  	s0 =	sor.u32 s3, s0;
	s1 =	sshll.u32 s1, $0x11  }
0xbb: {  	s0 =	sor.u32 s1, s0  }
0xbc: {  	s0 =	sadd.s32 $0x8F2B, s0  }
0xbd: {  	[sflag:s0] =	ssyncadd.remote.s32 $0x1  }
0xbe: {  	_ =	sfence.sel $0xFFFF  }
0xbf: {  	[dreg:$0x0] =	wrdreg $0xFFFFFFFF;
	(pc) =	sbr.abs _section_cstart, $3  }
0xc0: {  	[dreg:$0x1] =	wrdreg $0xFFFFFFFF  }
0xc1: {  	_ =	task.clear_ibuf [dreg:s6], $0x2FFFF;
	_ =	strace $0x9FFFFFFF  }
0xc2: {  	(tm) =	ssettm $0x7FFFFFFF  }
0xc3: {  	_ =	shalt  }
tec
execute0_lowered:
.L_overlay_start_1:
0x0: {  	(tag) =	ssettag $0x1  }
0x1: {  	s1 =	srdreg.scid;
	s5 =	rddreg [dreg:$0x0]  }
0x2: {  	s0 =	stileid.u32;
	s2 =	rddreg [dreg:$0x1];
	s3 =	simm.s32 $0x0  }
0x3: {  	s14 =	simm.s32 $0x80;
	s15 =	simm.s32 $0x5000;
	s16 =	simm.s32 $0x1  }
0x4: {  	s17 =	simm.s32 $0x0;
	s6 =	sand.u32 $0x1, s1;
	s1 =	rddreg [dreg:$0x2]  }
0x5: {  	s26 =	sshll.u32 s0, $0x1;
	[smem:$0x7FF] =	sst s3;
	s8 =	smul.u32 $0x14000, s0  }
0x6: {  	s29 =	smul.u32 $0x50000, s0;
	s31 =	sshll.u32 s0, $0x6;
	s4 =	sor.u32 s6, s26  }
0x7: {  	_ =	strace $0x8000004D;
	s9 =	smul.u32 $0x140000, s6;
	s6 =	ssub.s32 $0x2, s6  }
0x8: {  	s7 =	smul.u32 $0x500, s4;
	s4 =	sadd.s32 $0x19C00, s5;
	s28 =	sshrl.u32 s8, $0x3  }
0x9: {  	s11 =	sshrl.u32 s6, $0x1;
	s30 =	sshrl.u32 s29, $0x2;
	s8 =	sadd.s32 s8, s9  }
0xa: {  	s11 =	ssub.s32 s6, s11;
	s13 =	sadd.s32 s30, s2;
	s6 =	sor.u32 $0x1C02, s31  }
0xb: {  	s10 =	sadd.s32 s7, s5;
	s7 =	sadd.s32 s28, s5;
	s8 =	sshrl.u32 s8, $0x3  }
0xc: {  	s12 =	sadd.s32 s8, s5;
	s5 =	sadd.s32 $0x41C00, s7;
	s7 =	sadd.s32 $0xFC00, s10  }
0xd: {  	s8 =	sadd.s32 $0x5C00, s10;
	s10 =	smax.u32 s11, $0x1;
	s11 =	sshrl.u32 s13, $0x3  }
0xe: {  	s13 =	simm.s32 $0x2800;
	s9 =	sadd.s32 $0x69C00, s12;
	s12 =	simm.s32 $0x2  }
.LBB2_1:
0xf: {  	[spmem:s11], [sflag:s6] =	dma.local [hbm:s5], $0x2800  }
0x10: {  	_ =	swait.ge [sflag:s12], $0x2800  }
0x11: {  	[sflag:s12] =	ssyncset.done $0x0  }
0x12: {  	[sflag:s12] =	ssyncadd.s32 $0xFFFFD800  }
0x13: {  	[tilespmem:s3], [sflag:$0x2] =	stream.linear.gather [hbm4b:s7+s3], $0x2780, $0x38;
	[tilespmem:$0x1D000] =	vst v63  }
0x14: {  	_ =	swait.ge [sflag:s12], $0x2780  }
0x15: {  	[sflag:s12] =	ssyncset.done $0x0  }
0x16: {  	[sflag:s12] =	ssyncadd.s32 $0xFFFFD880  }
0x17: {  	[tilespmem:s13], [sflag:$0x2] =	stream.linear.gather [hbm4b:s8+s3], $0x2780, $0x38;
	[tilespmem:$0x1D000] =	vst v63  }
0x18: {  	_ =	swait.ge [sflag:s12], $0x2780  }
0x19: {  	[sflag:s12] =	ssyncset.done $0x0  }
0x1a: {  	[sflag:s12] =	ssyncadd.s32 $0xFFFFD880  }
0x1b: {  	s18 =	simm.s32 $0x0;
	[bflag:$0x0] =	sbarrier.arrive $0xFFFF  }
0x1c: {  	[tilespmem:s15], [sflag:$0x1] =	stream.indirect.gather [hbm4b:s4+s14], $0x80, s18, s14, $0xb8;
	[tilespmem:$0x1D000] =	vst v63  }
0x1d: {  	_ =	swait.ge [sflag:s16], $0x4000  }
0x1e: {  	[sflag:s16] =	ssyncset.done $0x0  }
0x1f: {  	s31 =	simm.s32 $0x2800;
	[sflag:s16] =	ssyncadd.s32 $0xFFFFC000  }
0x20: {  	[spmem:s2] =	stream.indirect.scatter.add.f32 [tilespmem:s15], [sflag:$0x2], $0x80, s31, s14, $0xb8;
	[tilespmem:$0x1D000] =	vst v63  }
0x21: {  	_ =	swait.ge [sflag:s12], $0x4000  }
0x22: {  	s19 =	simm.s32 $0x400;
	s18 =	simm.s32 $0x200;
	[sflag:s12] =	ssyncset.done $0x0  }
.LBB2_2:
0x23: {  	s20 =	sshra.s32 s18, $0x2  }
0x24: {  	[sflag:s12] =	ssyncadd.s32 $0xFFFFC000;
	s18 =	smov.u32 s19;
	s21 =	sadd.s32 $0x200, s19  }
0x25: {  	[tilespmem:s15], [sflag:$0x1] =	stream.indirect.gather [hbm4b:s4+s14], $0x80, s20, s14, $0xb8;
	[tilespmem:$0x1D000] =	vst v63  }
0x26: {  	p0 =	sne.s32 s19, $0x9C00;
	_ =	swait.ge [sflag:s16], $0x4000  }
.Ltmp0:
0x27: {  	[sflag:s16] =	ssyncset.done $0x0;
	(pc) =	sbr.rel @p0 .LBB2_2-.Ltmp0, $4  }
0x28: {  	s19 =	sadd.s32 $0x2800, s20;
	[sflag:s16] =	ssyncadd.s32 $0xFFFFC000  }
0x29: {  	[spmem:s2] =	stream.indirect.scatter.add.f32 [tilespmem:s15], [sflag:$0x2], $0x80, s19, s14, $0xb8;
	[tilespmem:$0x1D000] =	vst v63  }
0x2a: {  	_ =	swait.ge [sflag:s12], $0x4000  }
0x2b: {  	s19 =	smov.u32 s21;
	[sflag:s12] =	ssyncset.done $0x0  }
0x2c: {  	s18 =	sshra.s32 s18, $0x2;
	[sflag:s12] =	ssyncadd.s32 $0xFFFFC000  }
0x2d: {  	[tilespmem:s15], [sflag:$0x1] =	stream.indirect.gather [hbm4b:s4+s14], $0x80, s18, s14, $0xb8;
	[tilespmem:$0x1D000] =	vst v63  }
0x2e: {  	_ =	swait.ge [sflag:s16], $0x4000  }
0x2f: {  	[sflag:s16] =	ssyncset.done $0x0  }
0x30: {  	s18 =	sadd.s32 $0x2800, s18;
	[sflag:s16] =	ssyncadd.s32 $0xFFFFC000  }
0x31: {  	[spmem:s2] =	stream.indirect.scatter.add.f32 [tilespmem:s15], [sflag:$0x2], $0x80, s18, s14, $0xb8;
	[tilespmem:$0x1D000] =	vst v63  }
0x32: {  	_ =	swait.ge [sflag:s12], $0x4000  }
0x33: {  	s17 =	sadd.s32 $0x1, s17;
	[sflag:s12] =	ssyncset.done $0x0  }
0x34: {  	p0 =	sne.s32 s17, s10;
	[sflag:s12] =	ssyncadd.s32 $0xFFFFC000  }
.Ltmp1:
0x35: {  	[bflag:$0x0] =	sbarrier.arrive $0xFFFF;
	(pc) =	sbr.rel @p0 .LBB2_1-.Ltmp1, $4  }
0x36: {  	[hbm:s9], [sflag:s6] =	dma.local [spmem:s11], $0x2800  }
0x37: {  	_ =	swait.ge [sflag:s12], $0x2800  }
0x38: {  	[sflag:s12] =	ssyncset.done $0x0  }
0x39: {  	[sflag:s12] =	ssyncadd.s32 $0xFFFFD800  }
0x3a: {  	_ =	sfence.sel $0x180000  }
0x3b: {  	[bflag:$0x0] =	sbarrier.arrive $0xFFFF  }
0x3c: {  	p0 =	sne.s32 s0, $0x0;
	_ =	strace $0x9000004D  }
0x3d: {  	s0 =	sadd.s32 @!p0 $0x100000, s1;
	[bflag:$0x2] =	sbarrier.arrive $0xFFFF  }
0x3e: {  	[sflag:s0] =	ssyncadd.tile.s32 @!p0 $0x1;
	_ =	shalt  }
.Lfunc_end2:
_tile_overlayer_lowered:
.L_overlay_start_2:
0x3f: {  	(tag) =	ssettag $0x2  }
0x40: {  	s0 =	rddreg [dreg:$0x0];
	s2 =	stileid.u32  }
0x41: {  	s1 =	rddreg [dreg:$0x1];
	p0 =	sne.s32 s2, $0x0  }
0x42: {  	s3 =	rddreg [dreg:$0x2];
	[bflag:$0x3] =	sbarrier.arrive $0xFFFF;
	s2 =	simm.s32 @!p0 $0x1C02  }
0x43: {  	[timem:s3], [sflag:s2] =	dma.local @!p0 [hbm:s0], s1  }
0x44: {  	s0 =	simm.s32 @!p0 $0x2  }
0x45: {  	_ =	swait.ge @!p0 [sflag:s0], s1  }
0x46: {  	s1 =	ssub.s32 @!p0 $0x0, s1;
	[sflag:s0] =	ssyncset.done @!p0 $0x0  }
0x47: {  	[sflag:s0] =	ssyncadd.s32 @!p0 s1  }
0x48: {  	[bflag:$0x3] =	sbarrier.arrive $0xFFFF  }
0x49: {  	_ =	shalt  }

// kernel: kernel.20.cloned.1.call-start
scs
__scs_entry_jumppad:
0x0: {  	(pc) =	sbr.rel $0x88, $3  }
0x1: {  	(tag) =	ssettag $0x0;
	lr =	simm.s32 $0x1  }
0x2: {  	[smem:$0x3F8C] =	sst lr;
	_ =	strace $0xD0000000  }
0x3: {  	_ = 	snop  }
0x4: {  	_ = 	snop  }
0x5: {  	_ = 	snop  }
0x6: {  	_ = 	snop  }
0x7: {  	_ = 	snop  }
__scs_overlays_trampoline_lowered:
0x8: {  	[smem:$0x3F9B] =	sst s0  }
0x9: {  	[smem:$0x3F9C] =	sst s1  }
0xa: {  	[smem:$0x3F9D] =	sst s2  }
0xb: {  	[smem:$0x3F9E] =	sst s3  }
0xc: {  	[smem:$0x3F9F] =	sst s4  }
0xd: {  	[smem:$0x3FA0] =	sst s5  }
0xe: {  	[smem:$0x3FA1] =	sst s6  }
0xf: {  	[smem:$0x3FA2] =	sst s7  }
0x10: {  	[smem:$0x3FA3] =	sst s8  }
0x11: {  	[smem:$0x3FA4] =	sst s9;
	s0 =	simm.s32 @!p0 $0x0  }
0x12: {  	s1 =	sld [smem:$0x3F8A];
	s0 =	simm.s32 @p0 $0x1  }
0x13: {  	[smem:$0x3FA5] =	sst s0;
	s0 =	simm.s32 @!p1 $0x0  }
0x14: {  	s2 =	sld [smem:$0x3F89];
	s0 =	simm.s32 @p1 $0x1  }
0x15: {  	[smem:$0x3FA6] =	sst s0;
	s0 =	simm.s32 @!p2 $0x0  }
0x16: {  	s3 =	sld [smem:$0x3FDB];
	s0 =	simm.s32 @p2 $0x1  }
0x17: {  	s4 =	simm.s32 $0x1BF5;
	[smem:$0x3FA8] =	sst s0  }
0x18: {  	s0 =	sld [smem:$0x3F8B];
	_ =	swait.ge [sflag:s4], $0x0  }
0x19: {  	s7 =	sld [smem:$0x3F8C]  }
0x1a: {  	s8 =	sadd.s32 $0xFFFFE003, lr  }
0x1b: {  	s9 =	sadd.s32 $0xFFFFFEF7, lr;
	s5 =	simm.s32 $0xFFFFFFFF;
	p2 =	slt.u32 s8, $0xFFFFF086  }
0x1c: {  	p1 =	slt.u32 s9, $0xF7A;
	s5 =	simm.s32 @!p2 $0x0  }
0x1d: {  	s5 =	simm.s32 @p1 $0x1;
	p0 =	seq.s32 s7, s2  }
0x1e: {  	s7 =	smul.u32 @!p0 $0xF7A, s2;
	p2 =	seq.s32 @!p0 s5, $0x0  }
0x1f: {  	s9 =	smul.u32 $0xF7A, s1;
	s8 =	simm.s32 @!p0 $0x1BF5;
	p2 =	por !p2, p0  }
0x20: {  	[sflag:s8] =	ssyncset.s32 @!p0 $0xFFFFF086;
	s6 =	sadd.s32 @!p0 s3, s7;
	s7 =	simm.s32 @!p0 $0x108  }
0x21: {  	s3 =	sadd.s32 s3, s9;
	s6 =	sadd.s32 @!p0 $0x88, s6;
	s7 =	simm.s32 @p2 $0x1082  }
0x22: {  	[simem:s7], [sflag:s8] =	dma.local @!p0 [hbm:s6], $0xF7A  }
0x23: {  	s9 =	sor.u32 $0xD0000000, s2;
	s6 =	simm.s32 $0x108;
	_ =	swait.ge @!p0 [sflag:s8], $0x0  }
0x24: {  	s3 =	sadd.s32 $0x88, s3;
	s6 =	simm.s32 @!p1 $0x1082;
	[sflag:s4] =	ssyncset.s32 $0xFFFFF086  }
0x25: {  	[simem:s6], [sflag:s4] =	dma.local [hbm:s3], $0xF7A  }
0x26: {  	[smem:$0x3F8C] =	sst s1;
	(tag) =	ssettag s2;
	_ =	strace s9  }
0x27: {  	s1 =	sld [smem:$0x3F9C]  }
0x28: {  	s2 =	sld [smem:$0x3F9D]  }
0x29: {  	s4 =	sld [smem:$0x3F9F]  }
0x2a: {  	p0 =	seq.s32 s5, $0x0;
	s5 =	sld [smem:$0x3FA0]  }
0x2b: {  	s6 =	sld [smem:$0x3FA1]  }
0x2c: {  	s7 =	sld [smem:$0x3FA2]  }
0x2d: {  	s3 =	simm.s32 $0x108;
	s8 =	sld [smem:$0x3FA3]  }
0x2e: {  	s3 =	simm.s32 @!p0 $0x1082;
	s9 =	sld [smem:$0x3FA4]  }
0x2f: {  	lr =	sadd.s32 s0, s3;
	s0 =	sld [smem:$0x3F9B]  }
0x30: {  	s3 =	sld [smem:$0x3F9E]  }
0x31: {  	[smem:$0x3FA7] =	sst s10  }
0x32: {  	s10 =	sld [smem:$0x3FA5];
	_ =	sdelay $0x3  }
0x33: {  	p0 =	seq.s32 s10, $0x1;
	s10 =	sld [smem:$0x3FA7];
	_ =	sdelay $0x3  }
0x34: {  	[smem:$0x3FA7] =	sst s10  }
0x35: {  	s10 =	sld [smem:$0x3FA6];
	_ =	sdelay $0x3  }
0x36: {  	p1 =	seq.s32 s10, $0x1;
	s10 =	sld [smem:$0x3FA7];
	_ =	sdelay $0x3  }
0x37: {  	[smem:$0x3FA7] =	sst s10  }
0x38: {  	s10 =	sld [smem:$0x3FA8]  }
0x39: {  	_ = 	snop;
	(pc) =	sbr.ind lr, $3  }
0x3a: {  	_ = 	snop  }
0x3b: {  	_ = 	snop  }
0x3c: {  	p2 =	seq.s32 s10, $0x1;
	s10 =	sld [smem:$0x3FA7]  }
0x3d: {  	_ =	shalt  }
0x3e: {  	_ =	shalt  }
0x3f: {  	_ =	shalt  }
0x40: {  	_ =	shalt  }
0x41: {  	_ =	shalt  }
0x42: {  	_ =	shalt  }
0x43: {  	_ =	shalt  }
0x44: {  	_ =	shalt  }
0x45: {  	_ =	shalt  }
0x46: {  	_ =	shalt  }
0x47: {  	_ =	shalt  }
0x48: {  	_ =	shalt  }
0x49: {  	_ =	shalt  }
0x4a: {  	_ =	shalt  }
0x4b: {  	_ =	shalt  }
0x4c: {  	_ =	shalt  }
0x4d: {  	_ =	shalt  }
0x4e: {  	_ =	shalt  }
0x4f: {  	_ =	shalt  }
0x50: {  	_ =	shalt  }
0x51: {  	_ =	shalt  }
0x52: {  	_ =	shalt  }
0x53: {  	_ =	shalt  }
0x54: {  	_ =	shalt  }
0x55: {  	_ =	shalt  }
0x56: {  	_ =	shalt  }
0x57: {  	_ =	shalt  }
0x58: {  	_ =	shalt  }
0x59: {  	_ =	shalt  }
0x5a: {  	_ =	shalt  }
0x5b: {  	_ =	shalt  }
0x5c: {  	_ =	shalt  }
0x5d: {  	_ =	shalt  }
0x5e: {  	_ =	shalt  }
0x5f: {  	_ =	shalt  }
0x60: {  	_ =	shalt  }
0x61: {  	_ =	shalt  }
0x62: {  	_ =	shalt  }
0x63: {  	_ =	shalt  }
0x64: {  	_ =	shalt  }
0x65: {  	_ =	shalt  }
0x66: {  	_ =	shalt  }
0x67: {  	_ =	shalt  }
0x68: {  	_ =	shalt  }
0x69: {  	_ =	shalt  }
0x6a: {  	_ =	shalt  }
0x6b: {  	_ =	shalt  }
0x6c: {  	_ =	shalt  }
0x6d: {  	_ =	shalt  }
0x6e: {  	_ =	shalt  }
0x6f: {  	_ =	shalt  }
0x70: {  	_ =	shalt  }
0x71: {  	_ =	shalt  }
0x72: {  	_ =	shalt  }
0x73: {  	_ =	shalt  }
0x74: {  	_ =	shalt  }
0x75: {  	_ =	shalt  }
0x76: {  	_ =	shalt  }
0x77: {  	_ =	shalt  }
0x78: {  	_ =	shalt  }
0x79: {  	_ =	shalt  }
0x7a: {  	_ =	shalt  }
0x7b: {  	_ =	shalt  }
0x7c: {  	_ =	shalt  }
0x7d: {  	_ =	shalt  }
0x7e: {  	_ =	shalt  }
0x7f: {  	_ =	shalt  }
0x80: {  	_ =	shalt  }
0x81: {  	_ =	shalt  }
0x82: {  	_ =	shalt  }
0x83: {  	_ =	shalt  }
0x84: {  	_ =	shalt  }
0x85: {  	_ =	shalt  }
0x86: {  	_ =	shalt  }
0x87: {  	_ =	shalt  }
.Lfunc_end0:
.L_simem_size_0:
called_computation.3_lowered:
.L_overlay_start_0:
0x88: {  	s2 =	sld [smem:$0x3FD9]  }
0x89: {  	s3 =	sld [smem:$0x3FFE];
	_ =	sdelay $0x1  }
0x8a: {  	s1 =	srdreg.scid  }
0x8b: {  	s0 =	sand.u32 $0x1, s1  }
0x8c: {  	s16 =	sshll.u32 s0, $0xA;
	s2 =	sadd.s32 s3, s2  }
0x8d: {  	s2 =	sadd.s32 s2, s16  }
0x8e: {  	[smem:$0x3FB3] =	sst s2  }
0x8f: {  	_ = 	snop  }
0x90: {  	(tm) =	ssettm $0x1  }
0x91: {  	s17 =	sld [smem:$0x3FFB];
	_ =	sdelay $0x3  }
0x92: {  	_ =	strace s17  }
0x93: {  	s2 =	sld [smem:$0x3FFC];
	_ =	sdelay $0x3  }
0x94: {  	_ =	strace s2  }
0x95: {  	s2 =	sld [smem:$0x3FFD];
	_ =	sdelay $0x3  }
0x96: {  	_ =	strace s2  }
0x97: {  	_ =	strace $0x8FFFFFFF  }
0x98: {  	s18 =	sld [smem:$0x3FDB];
	_ =	sdelay $0x1  }
0x99: {  	s19 =	simm.s32 $_scs_section_size  }
0x9a: {  	s4 =	simm.s32 $_size__tile_overlayer_lowered;
	s5 =	simm.s32 $_tile_overlayer_lowered  }
0x9b: {  	s22 =	simm.s32 $0x1BFF;
	s21 =	sshll.u32 s5, $0x1;
	s2 =	sadd.s32 s19, s18  }
0x9c: {  	s6 =	simm.s32 $0x0;
	s20 =	sshll.u32 s4, $0x1;
	s4 =	sadd.s32 s21, s2  }
0x9d: {  	[timem:s6], [sflag:s22] =	dma.local [hbm:s4], s20  }
0x9e: {  	_ =	swait.ge [sflag:s22], s20  }
0x9f: {  	s3 =	ssub.s32 $0x0, s20;
	[sflag:s22] =	ssyncset.done $0x0  }
0xa0: {  	[sflag:s22] =	ssyncadd.s32 s3;
	_ =	sdelay $0x1  }
0xa1: {  	s23 =	simm.s32 $0x1B8B  }
0xa2: {  	_ =	swait.ge [sflag:s23], $0x1  }
0xa3: {  	[sflag:s23] =	ssyncset.done $0x0  }
0xa4: {  	s25 =	simm.s32 $0x1B8E;
	s24 =	sld [smem:$0x3FFE];
	[sflag:s23] =	ssyncadd.s32 $0xFFFFFFFF  }
0xa5: {  	s26 =	simm.s32 $execute0_lowered;
	[smem:$0x3FD2] =	sst s25  }
0xa6: {  	s4 =	sshll.u32 s26, $0x1;
	_ =	strace $0x8000004F;
	[dreg:$0x1] =	wrdreg $0xFFFFFFFF  }
0xa7: {  	s28 =	simm.s32 $_size_execute0_lowered;
	s2 =	sadd.s32 s2, s4;
	[dreg:$0x0] =	wrdreg $0x0  }
0xa8: {  	s4 =	sshll.u32 s28, $0x1;
	[dreg:$0x2] =	wrdreg s2  }
0xa9: {  	[dreg:$0x3] =	wrdreg s4  }
0xaa: {  	[dreg:$0x4] =	wrdreg $0xC0  }
0xab: {  	_ =	task [dreg:s6], $0x5FFFF  }
0xac: {  	[dreg:$0x1] =	wrdreg $0xFFFFFFFF  }
0xad: {  	[dreg:$0x0] =	wrdreg $0x60  }
0xae: {  	[dreg:$0x2] =	wrdreg s24  }
0xaf: {  	[dreg:$0x3] =	wrdreg $0x90000  }
0xb0: {  	[dreg:$0x4] =	wrdreg $0x9  }
0xb1: {  	_ =	task.clear_ibuf [dreg:s6], $0x5FFFF;
	_ =	strace $0x9000004F  }
0xb2: {  	s29 =	simm.s32 $0x9;
	_ =	strace $0x80000051  }
0xb3: {  	_ =	swait.ge [sflag:s29], $0x1  }
0xb4: {  	[sflag:s29] =	ssyncadd.s32 $0xFFFFFFFF  }
0xb5: {  	_ =	strace $0x90000051  }
0xb6: {  	_ =	sfence  }
0xb7: {  	s30 =	sld [smem:$0x0];
	_ =	sdelay $0x2  }
0xb8: {  	s31 =	sshll.u32 s1, $0xD;
	s1 =	sshrl.u32 s1, $0x2  }
0xb9: {  	s3 =	sand.u32 $0x4000, s31;
	s1 =	sadd.s32 s1, s30  }
0xba: {  	s0 =	sor.u32 s3, s0;
	s1 =	sshll.u32 s1, $0x11  }
0xbb: {  	s0 =	sor.u32 s1, s0  }
0xbc: {  	s0 =	sadd.s32 $0x8F2B, s0  }
0xbd: {  	[sflag:s0] =	ssyncadd.remote.s32 $0x1  }
0xbe: {  	_ =	sfence.sel $0xFFFF  }
0xbf: {  	[dreg:$0x0] =	wrdreg $0xFFFFFFFF;
	(pc) =	sbr.abs _section_cstart, $3  }
0xc0: {  	[dreg:$0x1] =	wrdreg $0xFFFFFFFF  }
0xc1: {  	_ =	task.clear_ibuf [dreg:s6], $0x2FFFF;
	_ =	strace $0x9FFFFFFF  }
0xc2: {  	(tm) =	ssettm $0x7FFFFFFF  }
0xc3: {  	_ =	shalt  }
tec
execute0_lowered:
.L_overlay_start_1:
0x0: {  	(tag) =	ssettag $0x1  }
0x1: {  	s1 =	srdreg.scid;
	s5 =	rddreg [dreg:$0x0]  }
0x2: {  	s0 =	stileid.u32;
	s2 =	rddreg [dreg:$0x1];
	s3 =	simm.s32 $0x0  }
0x3: {  	s14 =	simm.s32 $0x80;
	s15 =	simm.s32 $0x5000;
	s16 =	simm.s32 $0x1  }
0x4: {  	s17 =	simm.s32 $0x0;
	s6 =	sand.u32 $0x1, s1;
	s1 =	rddreg [dreg:$0x2]  }
0x5: {  	s26 =	sshll.u32 s0, $0x1;
	[smem:$0x7FF] =	sst s3;
	s8 =	smul.u32 $0x14000, s0  }
0x6: {  	s29 =	smul.u32 $0x50000, s0;
	s31 =	sshll.u32 s0, $0x6;
	s4 =	sor.u32 s6, s26  }
0x7: {  	_ =	strace $0x80000050;
	s9 =	smul.u32 $0x140000, s6;
	s6 =	ssub.s32 $0x2, s6  }
0x8: {  	s7 =	smul.u32 $0x500, s4;
	s4 =	sadd.s32 $0x19C00, s5;
	s28 =	sshrl.u32 s8, $0x3  }
0x9: {  	s11 =	sshrl.u32 s6, $0x1;
	s30 =	sshrl.u32 s29, $0x2;
	s8 =	sadd.s32 s8, s9  }
0xa: {  	s11 =	ssub.s32 s6, s11;
	s13 =	sadd.s32 s30, s2;
	s6 =	sor.u32 $0x1C02, s31  }
0xb: {  	s10 =	sadd.s32 s7, s5;
	s7 =	sadd.s32 s28, s5;
	s8 =	sshrl.u32 s8, $0x3  }
0xc: {  	s12 =	sadd.s32 s8, s5;
	s5 =	sadd.s32 $0x41C00, s7;
	s7 =	sadd.s32 $0xFC00, s10  }
0xd: {  	s8 =	sadd.s32 $0x5C00, s10;
	s10 =	smax.u32 s11, $0x1;
	s11 =	sshrl.u32 s13, $0x3  }
0xe: {  	s13 =	simm.s32 $0x2800;
	s9 =	sadd.s32 $0x69C00, s12;
	s12 =	simm.s32 $0x2  }
.LBB2_1:
0xf: {  	[spmem:s11], [sflag:s6] =	dma.local [hbm:s5], $0x2800  }
0x10: {  	_ =	swait.ge [sflag:s12], $0x2800  }
0x11: {  	[sflag:s12] =	ssyncset.done $0x0  }
0x12: {  	[sflag:s12] =	ssyncadd.s32 $0xFFFFD800  }
0x13: {  	[tilespmem:s3], [sflag:$0x2] =	stream.linear.gather [hbm4b:s7+s3], $0x2780, $0x38;
	[tilespmem:$0x1D000] =	vst v63  }
0x14: {  	_ =	swait.ge [sflag:s12], $0x2780  }
0x15: {  	[sflag:s12] =	ssyncset.done $0x0  }
0x16: {  	[sflag:s12] =	ssyncadd.s32 $0xFFFFD880  }
0x17: {  	[tilespmem:s13], [sflag:$0x2] =	stream.linear.gather [hbm4b:s8+s3], $0x2780, $0x38;
	[tilespmem:$0x1D000] =	vst v63  }
0x18: {  	_ =	swait.ge [sflag:s12], $0x2780  }
0x19: {  	[sflag:s12] =	ssyncset.done $0x0  }
0x1a: {  	[sflag:s12] =	ssyncadd.s32 $0xFFFFD880  }
0x1b: {  	s18 =	simm.s32 $0x0;
	[bflag:$0x0] =	sbarrier.arrive $0xFFFF  }
0x1c: {  	[tilespmem:s15], [sflag:$0x1] =	stream.indirect.gather [hbm4b:s4+s14], $0x80, s18, s14, $0xb8;
	[tilespmem:$0x1D000] =	vst v63  }
0x1d: {  	_ =	swait.ge [sflag:s16], $0x4000  }
0x1e: {  	[sflag:s16] =	ssyncset.done $0x0  }
0x1f: {  	s31 =	simm.s32 $0x2800;
	[sflag:s16] =	ssyncadd.s32 $0xFFFFC000  }
0x20: {  	[spmem:s2] =	stream.indirect.scatter.add.f32 [tilespmem:s15], [sflag:$0x2], $0x80, s31, s14, $0xb8;
	[tilespmem:$0x1D000] =	vst v63  }
0x21: {  	_ =	swait.ge [sflag:s12], $0x4000  }
0x22: {  	s19 =	simm.s32 $0x400;
	s18 =	simm.s32 $0x200;
	[sflag:s12] =	ssyncset.done $0x0  }
.LBB2_2:
0x23: {  	s20 =	sshra.s32 s18, $0x2  }
0x24: {  	[sflag:s12] =	ssyncadd.s32 $0xFFFFC000;
	s18 =	smov.u32 s19;
	s21 =	sadd.s32 $0x200, s19  }
0x25: {  	[tilespmem:s15], [sflag:$0x1] =	stream.indirect.gather [hbm4b:s4+s14], $0x80, s20, s14, $0xb8;
	[tilespmem:$0x1D000] =	vst v63  }
0x26: {  	p0 =	sne.s32 s19, $0x9C00;
	_ =	swait.ge [sflag:s16], $0x4000  }
.Ltmp0:
0x27: {  	[sflag:s16] =	ssyncset.done $0x0;
	(pc) =	sbr.rel @p0 .LBB2_2-.Ltmp0, $4  }
0x28: {  	s19 =	sadd.s32 $0x2800, s20;
	[sflag:s16] =	ssyncadd.s32 $0xFFFFC000  }
0x29: {  	[spmem:s2] =	stream.indirect.scatter.add.f32 [tilespmem:s15], [sflag:$0x2], $0x80, s19, s14, $0xb8;
	[tilespmem:$0x1D000] =	vst v63  }
0x2a: {  	_ =	swait.ge [sflag:s12], $0x4000  }
0x2b: {  	s19 =	smov.u32 s21;
	[sflag:s12] =	ssyncset.done $0x0  }
0x2c: {  	s18 =	sshra.s32 s18, $0x2;
	[sflag:s12] =	ssyncadd.s32 $0xFFFFC000  }
0x2d: {  	[tilespmem:s15], [sflag:$0x1] =	stream.indirect.gather [hbm4b:s4+s14], $0x80, s18, s14, $0xb8;
	[tilespmem:$0x1D000] =	vst v63  }
0x2e: {  	_ =	swait.ge [sflag:s16], $0x4000  }
0x2f: {  	[sflag:s16] =	ssyncset.done $0x0  }
0x30: {  	s18 =	sadd.s32 $0x2800, s18;
	[sflag:s16] =	ssyncadd.s32 $0xFFFFC000  }
0x31: {  	[spmem:s2] =	stream.indirect.scatter.add.f32 [tilespmem:s15], [sflag:$0x2], $0x80, s18, s14, $0xb8;
	[tilespmem:$0x1D000] =	vst v63  }
0x32: {  	_ =	swait.ge [sflag:s12], $0x4000  }
0x33: {  	s17 =	sadd.s32 $0x1, s17;
	[sflag:s12] =	ssyncset.done $0x0  }
0x34: {  	p0 =	sne.s32 s17, s10;
	[sflag:s12] =	ssyncadd.s32 $0xFFFFC000  }
.Ltmp1:
0x35: {  	[bflag:$0x0] =	sbarrier.arrive $0xFFFF;
	(pc) =	sbr.rel @p0 .LBB2_1-.Ltmp1, $4  }
0x36: {  	[hbm:s9], [sflag:s6] =	dma.local [spmem:s11], $0x2800  }
0x37: {  	_ =	swait.ge [sflag:s12], $0x2800  }
0x38: {  	[sflag:s12] =	ssyncset.done $0x0  }
0x39: {  	[sflag:s12] =	ssyncadd.s32 $0xFFFFD800  }
0x3a: {  	_ =	sfence.sel $0x180000  }
0x3b: {  	[bflag:$0x0] =	sbarrier.arrive $0xFFFF  }
0x3c: {  	p0 =	sne.s32 s0, $0x0;
	_ =	strace $0x90000050  }
0x3d: {  	s0 =	sadd.s32 @!p0 $0x100000, s1;
	[bflag:$0x2] =	sbarrier.arrive $0xFFFF  }
0x3e: {  	[sflag:s0] =	ssyncadd.tile.s32 @!p0 $0x1;
	_ =	shalt  }
.Lfunc_end2:
_tile_overlayer_lowered:
.L_overlay_start_2:
0x3f: {  	(tag) =	ssettag $0x2  }
0x40: {  	s0 =	rddreg [dreg:$0x0];
	s2 =	stileid.u32  }
0x41: {  	s1 =	rddreg [dreg:$0x1];
	p0 =	sne.s32 s2, $0x0  }
0x42: {  	s3 =	rddreg [dreg:$0x2];
	[bflag:$0x3] =	sbarrier.arrive $0xFFFF;
	s2 =	simm.s32 @!p0 $0x1C02  }
0x43: {  	[timem:s3], [sflag:s2] =	dma.local @!p0 [hbm:s0], s1  }
0x44: {  	s0 =	simm.s32 @!p0 $0x2  }
0x45: {  	_ =	swait.ge @!p0 [sflag:s0], s1  }
0x46: {  	s1 =	ssub.s32 @!p0 $0x0, s1;
	[sflag:s0] =	ssyncset.done @!p0 $0x0  }
0x47: {  	[sflag:s0] =	ssyncadd.s32 @!p0 s1  }
0x48: {  	[bflag:$0x3] =	sbarrier.arrive $0xFFFF  }
0x49: {  	_ =	shalt  }

// kernel: kernel.23.cloned.1.call-start
scs
__scs_entry_jumppad:
0x0: {  	(pc) =	sbr.rel $0x88, $3  }
0x1: {  	(tag) =	ssettag $0x0;
	lr =	simm.s32 $0x1  }
0x2: {  	[smem:$0x3F8C] =	sst lr;
	_ =	strace $0xD0000000  }
0x3: {  	_ = 	snop  }
0x4: {  	_ = 	snop  }
0x5: {  	_ = 	snop  }
0x6: {  	_ = 	snop  }
0x7: {  	_ = 	snop  }
__scs_overlays_trampoline_lowered:
0x8: {  	[smem:$0x3F9B] =	sst s0  }
0x9: {  	[smem:$0x3F9C] =	sst s1  }
0xa: {  	[smem:$0x3F9D] =	sst s2  }
0xb: {  	[smem:$0x3F9E] =	sst s3  }
0xc: {  	[smem:$0x3F9F] =	sst s4  }
0xd: {  	[smem:$0x3FA0] =	sst s5  }
0xe: {  	[smem:$0x3FA1] =	sst s6  }
0xf: {  	[smem:$0x3FA2] =	sst s7  }
0x10: {  	[smem:$0x3FA3] =	sst s8  }
0x11: {  	[smem:$0x3FA4] =	sst s9;
	s0 =	simm.s32 @!p0 $0x0  }
0x12: {  	s1 =	sld [smem:$0x3F8A];
	s0 =	simm.s32 @p0 $0x1  }
0x13: {  	[smem:$0x3FA5] =	sst s0;
	s0 =	simm.s32 @!p1 $0x0  }
0x14: {  	s2 =	sld [smem:$0x3F89];
	s0 =	simm.s32 @p1 $0x1  }
0x15: {  	[smem:$0x3FA6] =	sst s0;
	s0 =	simm.s32 @!p2 $0x0  }
0x16: {  	s3 =	sld [smem:$0x3FDB];
	s0 =	simm.s32 @p2 $0x1  }
0x17: {  	s4 =	simm.s32 $0x1BF5;
	[smem:$0x3FA8] =	sst s0  }
0x18: {  	s0 =	sld [smem:$0x3F8B];
	_ =	swait.ge [sflag:s4], $0x0  }
0x19: {  	s7 =	sld [smem:$0x3F8C]  }
0x1a: {  	s8 =	sadd.s32 $0xFFFFE003, lr  }
0x1b: {  	s9 =	sadd.s32 $0xFFFFFEF7, lr;
	s5 =	simm.s32 $0xFFFFFFFF;
	p2 =	slt.u32 s8, $0xFFFFF086  }
0x1c: {  	p1 =	slt.u32 s9, $0xF7A;
	s5 =	simm.s32 @!p2 $0x0  }
0x1d: {  	s5 =	simm.s32 @p1 $0x1;
	p0 =	seq.s32 s7, s2  }
0x1e: {  	s7 =	smul.u32 @!p0 $0xF7A, s2;
	p2 =	seq.s32 @!p0 s5, $0x0  }
0x1f: {  	s9 =	smul.u32 $0xF7A, s1;
	s8 =	simm.s32 @!p0 $0x1BF5;
	p2 =	por !p2, p0  }
0x20: {  	[sflag:s8] =	ssyncset.s32 @!p0 $0xFFFFF086;
	s6 =	sadd.s32 @!p0 s3, s7;
	s7 =	simm.s32 @!p0 $0x108  }
0x21: {  	s3 =	sadd.s32 s3, s9;
	s6 =	sadd.s32 @!p0 $0x88, s6;
	s7 =	simm.s32 @p2 $0x1082  }
0x22: {  	[simem:s7], [sflag:s8] =	dma.local @!p0 [hbm:s6], $0xF7A  }
0x23: {  	s9 =	sor.u32 $0xD0000000, s2;
	s6 =	simm.s32 $0x108;
	_ =	swait.ge @!p0 [sflag:s8], $0x0  }
0x24: {  	s3 =	sadd.s32 $0x88, s3;
	s6 =	simm.s32 @!p1 $0x1082;
	[sflag:s4] =	ssyncset.s32 $0xFFFFF086  }
0x25: {  	[simem:s6], [sflag:s4] =	dma.local [hbm:s3], $0xF7A  }
0x26: {  	[smem:$0x3F8C] =	sst s1;
	(tag) =	ssettag s2;
	_ =	strace s9  }
0x27: {  	s1 =	sld [smem:$0x3F9C]  }
0x28: {  	s2 =	sld [smem:$0x3F9D]  }
0x29: {  	s4 =	sld [smem:$0x3F9F]  }
0x2a: {  	p0 =	seq.s32 s5, $0x0;
	s5 =	sld [smem:$0x3FA0]  }
0x2b: {  	s6 =	sld [smem:$0x3FA1]  }
0x2c: {  	s7 =	sld [smem:$0x3FA2]  }
0x2d: {  	s3 =	simm.s32 $0x108;
	s8 =	sld [smem:$0x3FA3]  }
0x2e: {  	s3 =	simm.s32 @!p0 $0x1082;
	s9 =	sld [smem:$0x3FA4]  }
0x2f: {  	lr =	sadd.s32 s0, s3;
	s0 =	sld [smem:$0x3F9B]  }
0x30: {  	s3 =	sld [smem:$0x3F9E]  }
0x31: {  	[smem:$0x3FA7] =	sst s10  }
0x32: {  	s10 =	sld [smem:$0x3FA5];
	_ =	sdelay $0x3  }
0x33: {  	p0 =	seq.s32 s10, $0x1;
	s10 =	sld [smem:$0x3FA7];
	_ =	sdelay $0x3  }
0x34: {  	[smem:$0x3FA7] =	sst s10  }
0x35: {  	s10 =	sld [smem:$0x3FA6];
	_ =	sdelay $0x3  }
0x36: {  	p1 =	seq.s32 s10, $0x1;
	s10 =	sld [smem:$0x3FA7];
	_ =	sdelay $0x3  }
0x37: {  	[smem:$0x3FA7] =	sst s10  }
0x38: {  	s10 =	sld [smem:$0x3FA8]  }
0x39: {  	_ = 	snop;
	(pc) =	sbr.ind lr, $3  }
0x3a: {  	_ = 	snop  }
0x3b: {  	_ = 	snop  }
0x3c: {  	p2 =	seq.s32 s10, $0x1;
	s10 =	sld [smem:$0x3FA7]  }
0x3d: {  	_ =	shalt  }
0x3e: {  	_ =	shalt  }
0x3f: {  	_ =	shalt  }
0x40: {  	_ =	shalt  }
0x41: {  	_ =	shalt  }
0x42: {  	_ =	shalt  }
0x43: {  	_ =	shalt  }
0x44: {  	_ =	shalt  }
0x45: {  	_ =	shalt  }
0x46: {  	_ =	shalt  }
0x47: {  	_ =	shalt  }
0x48: {  	_ =	shalt  }
0x49: {  	_ =	shalt  }
0x4a: {  	_ =	shalt  }
0x4b: {  	_ =	shalt  }
0x4c: {  	_ =	shalt  }
0x4d: {  	_ =	shalt  }
0x4e: {  	_ =	shalt  }
0x4f: {  	_ =	shalt  }
0x50: {  	_ =	shalt  }
0x51: {  	_ =	shalt  }
0x52: {  	_ =	shalt  }
0x53: {  	_ =	shalt  }
0x54: {  	_ =	shalt  }
0x55: {  	_ =	shalt  }
0x56: {  	_ =	shalt  }
0x57: {  	_ =	shalt  }
0x58: {  	_ =	shalt  }
0x59: {  	_ =	shalt  }
0x5a: {  	_ =	shalt  }
0x5b: {  	_ =	shalt  }
0x5c: {  	_ =	shalt  }
0x5d: {  	_ =	shalt  }
0x5e: {  	_ =	shalt  }
0x5f: {  	_ =	shalt  }
0x60: {  	_ =	shalt  }
0x61: {  	_ =	shalt  }
0x62: {  	_ =	shalt  }
0x63: {  	_ =	shalt  }
0x64: {  	_ =	shalt  }
0x65: {  	_ =	shalt  }
0x66: {  	_ =	shalt  }
0x67: {  	_ =	shalt  }
0x68: {  	_ =	shalt  }
0x69: {  	_ =	shalt  }
0x6a: {  	_ =	shalt  }
0x6b: {  	_ =	shalt  }
0x6c: {  	_ =	shalt  }
0x6d: {  	_ =	shalt  }
0x6e: {  	_ =	shalt  }
0x6f: {  	_ =	shalt  }
0x70: {  	_ =	shalt  }
0x71: {  	_ =	shalt  }
0x72: {  	_ =	shalt  }
0x73: {  	_ =	shalt  }
0x74: {  	_ =	shalt  }
0x75: {  	_ =	shalt  }
0x76: {  	_ =	shalt  }
0x77: {  	_ =	shalt  }
0x78: {  	_ =	shalt  }
0x79: {  	_ =	shalt  }
0x7a: {  	_ =	shalt  }
0x7b: {  	_ =	shalt  }
0x7c: {  	_ =	shalt  }
0x7d: {  	_ =	shalt  }
0x7e: {  	_ =	shalt  }
0x7f: {  	_ =	shalt  }
0x80: {  	_ =	shalt  }
0x81: {  	_ =	shalt  }
0x82: {  	_ =	shalt  }
0x83: {  	_ =	shalt  }
0x84: {  	_ =	shalt  }
0x85: {  	_ =	shalt  }
0x86: {  	_ =	shalt  }
0x87: {  	_ =	shalt  }
.Lfunc_end0:
.L_simem_size_0:
called_computation.4_lowered:
.L_overlay_start_0:
0x88: {  	s2 =	sld [smem:$0x3FD9]  }
0x89: {  	s3 =	sld [smem:$0x3FFE];
	_ =	sdelay $0x1  }
0x8a: {  	s1 =	srdreg.scid  }
0x8b: {  	s0 =	sand.u32 $0x1, s1  }
0x8c: {  	s16 =	sshll.u32 s0, $0xA;
	s2 =	sadd.s32 s3, s2  }
0x8d: {  	s2 =	sadd.s32 s2, s16  }
0x8e: {  	[smem:$0x3FB3] =	sst s2  }
0x8f: {  	_ = 	snop  }
0x90: {  	(tm) =	ssettm $0x1  }
0x91: {  	s17 =	sld [smem:$0x3FFB];
	_ =	sdelay $0x3  }
0x92: {  	_ =	strace s17  }
0x93: {  	s2 =	sld [smem:$0x3FFC];
	_ =	sdelay $0x3  }
0x94: {  	_ =	strace s2  }
0x95: {  	s2 =	sld [smem:$0x3FFD];
	_ =	sdelay $0x3  }
0x96: {  	_ =	strace s2  }
0x97: {  	_ =	strace $0x8FFFFFFF  }
0x98: {  	s18 =	sld [smem:$0x3FDB];
	_ =	sdelay $0x1  }
0x99: {  	s19 =	simm.s32 $_scs_section_size  }
0x9a: {  	s4 =	simm.s32 $_size__tile_overlayer_lowered;
	s5 =	simm.s32 $_tile_overlayer_lowered  }
0x9b: {  	s22 =	simm.s32 $0x1BFF;
	s21 =	sshll.u32 s5, $0x1;
	s2 =	sadd.s32 s19, s18  }
0x9c: {  	s6 =	simm.s32 $0x0;
	s20 =	sshll.u32 s4, $0x1;
	s4 =	sadd.s32 s21, s2  }
0x9d: {  	[timem:s6], [sflag:s22] =	dma.local [hbm:s4], s20  }
0x9e: {  	_ =	swait.ge [sflag:s22], s20  }
0x9f: {  	s3 =	ssub.s32 $0x0, s20;
	[sflag:s22] =	ssyncset.done $0x0  }
0xa0: {  	[sflag:s22] =	ssyncadd.s32 s3;
	_ =	sdelay $0x1  }
0xa1: {  	s23 =	simm.s32 $0x1B8B  }
0xa2: {  	_ =	swait.ge [sflag:s23], $0x1  }
0xa3: {  	[sflag:s23] =	ssyncset.done $0x0  }
0xa4: {  	s25 =	simm.s32 $0x1B8E;
	s24 =	sld [smem:$0x3FFE];
	[sflag:s23] =	ssyncadd.s32 $0xFFFFFFFF  }
0xa5: {  	s26 =	simm.s32 $execute0_lowered;
	[smem:$0x3FD2] =	sst s25  }
0xa6: {  	s4 =	sshll.u32 s26, $0x1;
	_ =	strace $0x80000052;
	[dreg:$0x1] =	wrdreg $0xFFFFFFFF  }
0xa7: {  	s28 =	simm.s32 $_size_execute0_lowered;
	s2 =	sadd.s32 s2, s4;
	[dreg:$0x0] =	wrdreg $0x0  }
0xa8: {  	s4 =	sshll.u32 s28, $0x1;
	[dreg:$0x2] =	wrdreg s2  }
0xa9: {  	[dreg:$0x3] =	wrdreg s4  }
0xaa: {  	[dreg:$0x4] =	wrdreg $0xC0  }
0xab: {  	_ =	task [dreg:s6], $0x5FFFF  }
0xac: {  	[dreg:$0x1] =	wrdreg $0xFFFFFFFF  }
0xad: {  	[dreg:$0x0] =	wrdreg $0x60  }
0xae: {  	[dreg:$0x2] =	wrdreg s24  }
0xaf: {  	[dreg:$0x3] =	wrdreg $0x90000  }
0xb0: {  	[dreg:$0x4] =	wrdreg $0x9  }
0xb1: {  	_ =	task.clear_ibuf [dreg:s6], $0x5FFFF;
	_ =	strace $0x90000052  }
0xb2: {  	s29 =	simm.s32 $0x9;
	_ =	strace $0x80000054  }
0xb3: {  	_ =	swait.ge [sflag:s29], $0x1  }
0xb4: {  	[sflag:s29] =	ssyncadd.s32 $0xFFFFFFFF  }
0xb5: {  	_ =	strace $0x90000054  }
0xb6: {  	_ =	sfence  }
0xb7: {  	s30 =	sld [smem:$0x0];
	_ =	sdelay $0x2  }
0xb8: {  	s31 =	sshll.u32 s1, $0xD;
	s1 =	sshrl.u32 s1, $0x2  }
0xb9: {  	s3 =	sand.u32 $0x4000, s31;
	s1 =	sadd.s32 s1, s30  }
0xba: {  	s0 =	sor.u32 s3, s0;
	s1 =	sshll.u32 s1, $0x11  }
0xbb: {  	s0 =	sor.u32 s1, s0  }
0xbc: {  	s0 =	sadd.s32 $0x8F2B, s0  }
0xbd: {  	[sflag:s0] =	ssyncadd.remote.s32 $0x1  }
0xbe: {  	_ =	sfence.sel $0xFFFF  }
0xbf: {  	[dreg:$0x0] =	wrdreg $0xFFFFFFFF;
	(pc) =	sbr.abs _section_cstart, $3  }
0xc0: {  	[dreg:$0x1] =	wrdreg $0xFFFFFFFF  }
0xc1: {  	_ =	task.clear_ibuf [dreg:s6], $0x2FFFF;
	_ =	strace $0x9FFFFFFF  }
0xc2: {  	(tm) =	ssettm $0x7FFFFFFF  }
0xc3: {  	_ =	shalt  }
tec
execute0_lowered:
.L_overlay_start_1:
0x0: {  	(tag) =	ssettag $0x1  }
0x1: {  	s1 =	srdreg.scid;
	s5 =	rddreg [dreg:$0x0]  }
0x2: {  	s0 =	stileid.u32;
	s2 =	rddreg [dreg:$0x1];
	s3 =	simm.s32 $0x0  }
0x3: {  	s14 =	simm.s32 $0x80;
	s15 =	simm.s32 $0x5000;
	s16 =	simm.s32 $0x1  }
0x4: {  	s17 =	simm.s32 $0x0;
	s6 =	sand.u32 $0x1, s1;
	s1 =	rddreg [dreg:$0x2]  }
0x5: {  	s26 =	sshll.u32 s0, $0x1;
	[smem:$0x7FF] =	sst s3;
	s8 =	smul.u32 $0x14000, s0  }
0x6: {  	s29 =	smul.u32 $0x50000, s0;
	s31 =	sshll.u32 s0, $0x6;
	s4 =	sor.u32 s6, s26  }
0x7: {  	_ =	strace $0x80000053;
	s9 =	smul.u32 $0x140000, s6;
	s6 =	ssub.s32 $0x2, s6  }
0x8: {  	s7 =	smul.u32 $0x500, s4;
	s4 =	sadd.s32 $0x19C00, s5;
	s28 =	sshrl.u32 s8, $0x3  }
0x9: {  	s11 =	sshrl.u32 s6, $0x1;
	s30 =	sshrl.u32 s29, $0x2;
	s8 =	sadd.s32 s8, s9  }
0xa: {  	s11 =	ssub.s32 s6, s11;
	s13 =	sadd.s32 s30, s2;
	s6 =	sor.u32 $0x1C02, s31  }
0xb: {  	s10 =	sadd.s32 s7, s5;
	s7 =	sadd.s32 s28, s5;
	s8 =	sshrl.u32 s8, $0x3  }
0xc: {  	s12 =	sadd.s32 s8, s5;
	s5 =	sadd.s32 $0x41C00, s7;
	s7 =	sadd.s32 $0xFC00, s10  }
0xd: {  	s8 =	sadd.s32 $0x5C00, s10;
	s10 =	smax.u32 s11, $0x1;
	s11 =	sshrl.u32 s13, $0x3  }
0xe: {  	s13 =	simm.s32 $0x2800;
	s9 =	sadd.s32 $0x69C00, s12;
	s12 =	simm.s32 $0x2  }
.LBB2_1:
0xf: {  	[spmem:s11], [sflag:s6] =	dma.local [hbm:s5], $0x2800  }
0x10: {  	_ =	swait.ge [sflag:s12], $0x2800  }
0x11: {  	[sflag:s12] =	ssyncset.done $0x0  }
0x12: {  	[sflag:s12] =	ssyncadd.s32 $0xFFFFD800  }
0x13: {  	[tilespmem:s3], [sflag:$0x2] =	stream.linear.gather [hbm4b:s7+s3], $0x2780, $0x38;
	[tilespmem:$0x1D000] =	vst v63  }
0x14: {  	_ =	swait.ge [sflag:s12], $0x2780  }
0x15: {  	[sflag:s12] =	ssyncset.done $0x0  }
0x16: {  	[sflag:s12] =	ssyncadd.s32 $0xFFFFD880  }
0x17: {  	[tilespmem:s13], [sflag:$0x2] =	stream.linear.gather [hbm4b:s8+s3], $0x2780, $0x38;
	[tilespmem:$0x1D000] =	vst v63  }
0x18: {  	_ =	swait.ge [sflag:s12], $0x2780  }
0x19: {  	[sflag:s12] =	ssyncset.done $0x0  }
0x1a: {  	[sflag:s12] =	ssyncadd.s32 $0xFFFFD880  }
0x1b: {  	s18 =	simm.s32 $0x0;
	[bflag:$0x0] =	sbarrier.arrive $0xFFFF  }
0x1c: {  	[tilespmem:s15], [sflag:$0x1] =	stream.indirect.gather [hbm4b:s4+s14], $0x80, s18, s14, $0xb8;
	[tilespmem:$0x1D000] =	vst v63  }
0x1d: {  	_ =	swait.ge [sflag:s16], $0x4000  }
0x1e: {  	[sflag:s16] =	ssyncset.done $0x0  }
0x1f: {  	s31 =	simm.s32 $0x2800;
	[sflag:s16] =	ssyncadd.s32 $0xFFFFC000  }
0x20: {  	[spmem:s2] =	stream.indirect.scatter.add.f32 [tilespmem:s15], [sflag:$0x2], $0x80, s31, s14, $0xb8;
	[tilespmem:$0x1D000] =	vst v63  }
0x21: {  	_ =	swait.ge [sflag:s12], $0x4000  }
0x22: {  	s19 =	simm.s32 $0x400;
	s18 =	simm.s32 $0x200;
	[sflag:s12] =	ssyncset.done $0x0  }
.LBB2_2:
0x23: {  	s20 =	sshra.s32 s18, $0x2  }
0x24: {  	[sflag:s12] =	ssyncadd.s32 $0xFFFFC000;
	s18 =	smov.u32 s19;
	s21 =	sadd.s32 $0x200, s19  }
0x25: {  	[tilespmem:s15], [sflag:$0x1] =	stream.indirect.gather [hbm4b:s4+s14], $0x80, s20, s14, $0xb8;
	[tilespmem:$0x1D000] =	vst v63  }
0x26: {  	p0 =	sne.s32 s19, $0x9C00;
	_ =	swait.ge [sflag:s16], $0x4000  }
.Ltmp0:
0x27: {  	[sflag:s16] =	ssyncset.done $0x0;
	(pc) =	sbr.rel @p0 .LBB2_2-.Ltmp0, $4  }
0x28: {  	s19 =	sadd.s32 $0x2800, s20;
	[sflag:s16] =	ssyncadd.s32 $0xFFFFC000  }
0x29: {  	[spmem:s2] =	stream.indirect.scatter.add.f32 [tilespmem:s15], [sflag:$0x2], $0x80, s19, s14, $0xb8;
	[tilespmem:$0x1D000] =	vst v63  }
0x2a: {  	_ =	swait.ge [sflag:s12], $0x4000  }
0x2b: {  	s19 =	smov.u32 s21;
	[sflag:s12] =	ssyncset.done $0x0  }
0x2c: {  	s18 =	sshra.s32 s18, $0x2;
	[sflag:s12] =	ssyncadd.s32 $0xFFFFC000  }
0x2d: {  	[tilespmem:s15], [sflag:$0x1] =	stream.indirect.gather [hbm4b:s4+s14], $0x80, s18, s14, $0xb8;
	[tilespmem:$0x1D000] =	vst v63  }
0x2e: {  	_ =	swait.ge [sflag:s16], $0x4000  }
0x2f: {  	[sflag:s16] =	ssyncset.done $0x0  }
0x30: {  	s18 =	sadd.s32 $0x2800, s18;
	[sflag:s16] =	ssyncadd.s32 $0xFFFFC000  }
0x31: {  	[spmem:s2] =	stream.indirect.scatter.add.f32 [tilespmem:s15], [sflag:$0x2], $0x80, s18, s14, $0xb8;
	[tilespmem:$0x1D000] =	vst v63  }
0x32: {  	_ =	swait.ge [sflag:s12], $0x4000  }
0x33: {  	s17 =	sadd.s32 $0x1, s17;
	[sflag:s12] =	ssyncset.done $0x0  }
0x34: {  	p0 =	sne.s32 s17, s10;
	[sflag:s12] =	ssyncadd.s32 $0xFFFFC000  }
.Ltmp1:
0x35: {  	[bflag:$0x0] =	sbarrier.arrive $0xFFFF;
	(pc) =	sbr.rel @p0 .LBB2_1-.Ltmp1, $4  }
0x36: {  	[hbm:s9], [sflag:s6] =	dma.local [spmem:s11], $0x2800  }
0x37: {  	_ =	swait.ge [sflag:s12], $0x2800  }
0x38: {  	[sflag:s12] =	ssyncset.done $0x0  }
0x39: {  	[sflag:s12] =	ssyncadd.s32 $0xFFFFD800  }
0x3a: {  	_ =	sfence.sel $0x180000  }
0x3b: {  	[bflag:$0x0] =	sbarrier.arrive $0xFFFF  }
0x3c: {  	p0 =	sne.s32 s0, $0x0;
	_ =	strace $0x90000053  }
0x3d: {  	s0 =	sadd.s32 @!p0 $0x100000, s1;
	[bflag:$0x2] =	sbarrier.arrive $0xFFFF  }
0x3e: {  	[sflag:s0] =	ssyncadd.tile.s32 @!p0 $0x1;
	_ =	shalt  }
.Lfunc_end2:
_tile_overlayer_lowered:
.L_overlay_start_2:
0x3f: {  	(tag) =	ssettag $0x2  }
0x40: {  	s0 =	rddreg [dreg:$0x0];
	s2 =	stileid.u32  }
0x41: {  	s1 =	rddreg [dreg:$0x1];
	p0 =	sne.s32 s2, $0x0  }
0x42: {  	s3 =	rddreg [dreg:$0x2];
	[bflag:$0x3] =	sbarrier.arrive $0xFFFF;
	s2 =	simm.s32 @!p0 $0x1C02  }
0x43: {  	[timem:s3], [sflag:s2] =	dma.local @!p0 [hbm:s0], s1  }
0x44: {  	s0 =	simm.s32 @!p0 $0x2  }
0x45: {  	_ =	swait.ge @!p0 [sflag:s0], s1  }
0x46: {  	s1 =	ssub.s32 @!p0 $0x0, s1;
	[sflag:s0] =	ssyncset.done @!p0 $0x0  }
0x47: {  	[sflag:s0] =	ssyncadd.s32 @!p0 s1  }
0x48: {  	[bflag:$0x3] =	sbarrier.arrive $0xFFFF  }
0x49: {  	_ =	shalt  }

</sc_bundles>
